<compile_context>
chip_gen: v7x
topology: tpu7x:2x2x1
jax: 0.10.2.dev20260603
libtpu: 0.0.44.dev20260713+nightly
codegen_flags: <defaults>
</compile_context>

<pallas_src>
import functools

import jax
import jax.numpy as jnp
from jax import lax
from jax.experimental import pallas as pl
from jax.experimental.pallas import tpu as pltpu
from jax.experimental.pallas import tpu_sc as plsc

_N = 10000
_E = 320000
_D = 128
_WID = 128
_C = 64

_NC = 2
_NS = 16
_NW = _NC * _NS
_LANES = 16
_EPWD = _E // _NW
_CH_L1, _K0_L1, _K1_L1, _R1X_L1 = 80, 162, 88, 0
_CH_L2, _K0_L2, _K1_L2, _R1X_L2 = 128, 111, 45, 4
_NPAD = 10240
_RPT = _NPAD // _NS
_BN = 1280
_GRID = _NPAD // _BN


def _sc_mesh():
    return plsc.VectorSubcoreMesh(
        core_axis_name="c", subcore_axis_name="s",
        num_cores=_NC, num_subcores=_NS)


@functools.cache
def _build_sc_prep():

    @functools.partial(
        pl.kernel,
        out_type=jax.ShapeDtypeStruct((_NW, _NPAD), jnp.float32),
        mesh=_sc_mesh(),
        scratch_types=[
            pltpu.VMEM((_EPWD,), jnp.int32),
            pltpu.VMEM((_NPAD,), jnp.float32),
        ],
        compiler_params=pltpu.CompilerParams(needs_layout_passes=False, use_tc_tiling_on_sc=False),
    )
    def _sc_prep(ei_hbm, deg_hbm, idx_v, deg_v):
        cid = lax.axis_index("c")
        sid = lax.axis_index("s")
        wid = sid * _NC + cid
        pltpu.sync_copy(ei_hbm.at[1, wid], idx_v)

        zeros = jnp.zeros((_LANES,), jnp.float32)

        def zero_body(i, carry):
            deg_v[pl.ds(i * _LANES, _LANES)] = zeros
            return carry

        lax.fori_loop(0, _NPAD // _LANES, zero_body, 0)
        ones = jnp.ones((_LANES,), jnp.float32)

        def body(g, carry):
            idx = idx_v[pl.ds(g * _LANES, _LANES)]
            plsc.addupdate_scatter(deg_v, [idx], ones)
            return carry

        lax.fori_loop(0, _EPWD // _LANES, body, 0)
        pltpu.sync_copy(deg_v, deg_hbm.at[wid])

    return _sc_prep


@functools.cache
def _build_edge_scatter(w, ch, k0, k1, r1x, nbuf=2):
    kmax = max(k0, k1 + (1 if r1x else 0))
    assert k0 % nbuf == 0
    assert _NS * (k0 + k1) + r1x == _E // ch

    @functools.partial(
        pl.kernel,
        out_type=jax.ShapeDtypeStruct((_NC, _NPAD, w), jnp.float32),
        mesh=_sc_mesh(),
        scratch_types=[
            pltpu.VMEM((kmax, ch), jnp.int32),
            pltpu.VMEM((kmax, ch), jnp.int32),
            [pltpu.VMEM((ch, w), jnp.float32) for _ in range(nbuf)],
            pltpu.VMEM_SHARED((_NPAD, w), jnp.float32),
            [pltpu.SemaphoreType.DMA for _ in range(nbuf)],
            [pltpu.SemaphoreType.DMA for _ in range(nbuf)],
        ],
        compiler_params=pltpu.CompilerParams(needs_layout_passes=False, use_tc_tiling_on_sc=False),
    )
    def _scat(g_hbm, ei_hbm, z_hbm, out_hbm,
              src_v, dst_v, rows, acc_sh, gsem, ssem):
        cid = lax.axis_index("c")
        sid = lax.axis_index("s")
        wid = sid * _NC + cid
        pltpu.sync_copy(z_hbm.at[pl.ds(sid * _RPT, _RPT)],
                        acc_sh.at[pl.ds(sid * _RPT, _RPT)])
        start = jnp.where(
            cid == 0,
            _NS * k1 + r1x + sid * k0,
            sid * k1 + jnp.minimum(sid, r1x))
        pltpu.sync_copy(ei_hbm.at[0, pl.ds(start, kmax)], src_v)
        pltpu.sync_copy(ei_hbm.at[1, pl.ds(start, kmax)], dst_v)
        plsc.subcore_barrier()

        def sync_loop(k):
            def body(j, carry):
                pltpu.async_copy(g_hbm.at[src_v.at[j]], rows[0], gsem[0]).wait()
                pltpu.sync_copy(rows[0], acc_sh.at[dst_v.at[j]], add=True)
                return carry

            lax.fori_loop(0, k, body, 0)

        def pipe_loop(k):
            for b in range(nbuf - 1):
                pltpu.async_copy(g_hbm.at[src_v.at[b]], rows[b], gsem[b])

            def body(i, carry):
                for off in range(nbuf):
                    j = nbuf * i + off
                    bn = (off + nbuf - 1) % nbuf

                    @pl.when(j > 0)
                    def _():
                        pltpu.make_async_copy(
                            rows[bn], acc_sh.at[dst_v.at[j]], ssem[bn]).wait()

                    @pl.when(j + nbuf - 1 < k)
                    def _():
                        pltpu.async_copy(
                            g_hbm.at[src_v.at[j + nbuf - 1]],
                            rows[bn], gsem[bn])

                    pltpu.make_async_copy(
                        g_hbm.at[src_v.at[j]], rows[off], gsem[off]).wait()
                    pltpu.async_copy(
                        rows[off], acc_sh.at[dst_v.at[j]], ssem[off],
                        add=True)
                return carry

            lax.fori_loop(0, k // nbuf, body, 0)
            pltpu.make_async_copy(
                rows[nbuf - 1], acc_sh.at[dst_v.at[0]], ssem[nbuf - 1]).wait()

        @pl.when(cid == 0)
        def _():
            pipe_loop(k0)

        @pl.when(cid == 1)
        def _():
            if r1x:
                @pl.when(sid < r1x)
                def _():
                    sync_loop(k1 + 1)

                @pl.when(sid >= r1x)
                def _():
                    sync_loop(k1)
            else:
                sync_loop(k1)

        plsc.subcore_barrier()
        pltpu.sync_copy(acc_sh.at[pl.ds(sid * _RPT, _RPT)],
                        out_hbm.at[cid, pl.ds(sid * _RPT, _RPT)])

    return _scat


def _tc_stage1(degp, x, w1):
    def body(degp_ref, x_ref, w1_ref, dinv_ref, g1_ref):
        deg = jnp.sum(degp_ref[...], axis=0) + 1.0
        dinv = lax.rsqrt(deg)[:, None]
        dinv_ref[...] = dinv
        h = jnp.dot(x_ref[...], w1_ref[...], preferred_element_type=jnp.float32)
        g1_ref[...] = h * dinv

    return pl.pallas_call(
        body,
        grid=(_GRID,),
        in_specs=[
            pl.BlockSpec((_NW, _BN), lambda i: (0, i)),
            pl.BlockSpec((_BN, _D), lambda i: (i, 0)),
            pl.BlockSpec((_D, _WID), lambda i: (0, 0)),
        ],
        out_specs=[
            pl.BlockSpec((_BN, 1), lambda i: (i, 0)),
            pl.BlockSpec((_BN, _WID), lambda i: (i, 0)),
        ],
        out_shape=[
            jax.ShapeDtypeStruct((_NPAD, 1), jnp.float32),
            jax.ShapeDtypeStruct((_NPAD, _WID), jnp.float32),
        ],
    )(degp, x, w1)


def _tc_stage2(s1p, g1, dinv, x, ws1, bs1, b1, w2, ws2, bs2, b2, pg):
    def body(s1p_ref, g1_ref, dinv_ref, x_ref, ws1_ref, bs1_ref, b1_ref,
             w2_ref, ws2_ref, bs2_ref, b2_ref, pg_ref, g2_ref, t_ref):
        dinv = dinv_ref[...]
        s1 = s1p_ref[0] + s1p_ref[1]
        a1 = dinv * (s1 + g1_ref[...]) + b1_ref[...]
        sg1 = jax.nn.sigmoid(pg_ref[0, 0])
        sg2 = jax.nn.sigmoid(pg_ref[0, 1])
        h = jnp.maximum(a1, 0.0) + sg1 * (
            jnp.dot(x_ref[...], ws1_ref[...],
                    preferred_element_type=jnp.float32) + bs1_ref[...])
        g2_ref[...] = jnp.dot(h, w2_ref[...],
                              preferred_element_type=jnp.float32) * dinv
        t_ref[...] = sg2 * (jnp.dot(h, ws2_ref[...],
                                    preferred_element_type=jnp.float32)
                            + bs2_ref[...]) + b2_ref[...]

    return pl.pallas_call(
        body,
        grid=(_GRID,),
        in_specs=[
            pl.BlockSpec((_NC, _BN, _WID), lambda i: (0, i, 0)),
            pl.BlockSpec((_BN, _WID), lambda i: (i, 0)),
            pl.BlockSpec((_BN, 1), lambda i: (i, 0)),
            pl.BlockSpec((_BN, _D), lambda i: (i, 0)),
            pl.BlockSpec((_D, _WID), lambda i: (0, 0)),
            pl.BlockSpec((1, _WID), lambda i: (0, 0)),
            pl.BlockSpec((1, _WID), lambda i: (0, 0)),
            pl.BlockSpec((_WID, _C), lambda i: (0, 0)),
            pl.BlockSpec((_WID, _C), lambda i: (0, 0)),
            pl.BlockSpec((1, _C), lambda i: (0, 0)),
            pl.BlockSpec((1, _C), lambda i: (0, 0)),
            pl.BlockSpec((1, 2), lambda i: (0, 0)),
        ],
        out_specs=[
            pl.BlockSpec((_BN, _C), lambda i: (i, 0)),
            pl.BlockSpec((_BN, _C), lambda i: (i, 0)),
        ],
        out_shape=[
            jax.ShapeDtypeStruct((_NPAD, _C), jnp.float32),
            jax.ShapeDtypeStruct((_NPAD, _C), jnp.float32),
        ],
    )(s1p, g1, dinv, x, ws1, bs1, b1, w2, ws2, bs2, b2, pg)


def _tc_stage3(s2p, g2, dinv, t):
    def body(s2p_ref, g2_ref, dinv_ref, t_ref, out_ref):
        out_ref[...] = dinv_ref[...] * (s2p_ref[0] + s2p_ref[1]
                                        + g2_ref[...]) + t_ref[...]

    bn = 2000
    return pl.pallas_call(
        body,
        grid=(_N // bn,),
        in_specs=[
            pl.BlockSpec((_NC, bn, _C), lambda i: (0, i, 0)),
            pl.BlockSpec((bn, _C), lambda i: (i, 0)),
            pl.BlockSpec((bn, 1), lambda i: (i, 0)),
            pl.BlockSpec((bn, _C), lambda i: (i, 0)),
        ],
        out_specs=pl.BlockSpec((bn, _C), lambda i: (i, 0)),
        out_shape=jax.ShapeDtypeStruct((_N, _C), jnp.float32),
    )(s2p, g2, dinv, t)


def kernel(x, W1, b1, W2, b2, Ws1, bs1, Ws2, bs2, p1, p2, edge_index):
    z1 = jnp.zeros((_NPAD, _WID), jnp.float32)
    z2 = jnp.zeros((_NPAD, _C), jnp.float32)
    pg = jnp.stack([p1, p2]).reshape(1, 2)

    degp = _build_sc_prep()(edge_index.reshape(2, _NW, _EPWD))
    dinv, g1 = _tc_stage1(degp, x, W1)
    s1p = _build_edge_scatter(_WID, _CH_L1, _K0_L1, _K1_L1, _R1X_L1,
                              nbuf=2)(
        g1, edge_index.reshape(2, -1, _CH_L1), z1)
    g2, t = _tc_stage2(s1p, g1, dinv, x,
                       Ws1, bs1.reshape(1, _WID), b1.reshape(1, _WID),
                       W2, Ws2, bs2.reshape(1, _C), b2.reshape(1, _C), pg)
    s2p = _build_edge_scatter(_C, _CH_L2, _K0_L2, _K1_L2, _R1X_L2,
                              nbuf=3)(
        g2, edge_index.reshape(2, -1, _CH_L2), z2)
    return _tc_stage3(s2p, g2, dinv, t)

# --- scband reference (transcript-rebuilt; emitter-appended) ---
"""Pipeline reference for scband-master-model-11166914969652 (READ-ONLY COPY).

The authoritative reference and input builder live on the scoring server;
editing this copy changes nothing except your own understanding.
"""

import jax, jax.numpy as jnp
import numpy as np

N = 10000
E = 320000
D = 128
WID = 128
C = 64


def gcn_conv(x, src, dst, W, b, n):
    # GCNConv with self-loops and symmetric normalization:
    # out = D^{-1/2} (A + I) D^{-1/2} X W + b
    loop = jnp.arange(n, dtype=src.dtype)
    src2 = jnp.concatenate([src, loop])
    dst2 = jnp.concatenate([dst, loop])
    deg = jnp.zeros((n,), dtype=x.dtype).at[dst2].add(1.0)
    dinv = jax.lax.rsqrt(deg)
    h = x @ W
    norm = dinv[src2] * dinv[dst2]
    msgs = h[src2] * norm[:, None]
    out = jnp.zeros((n, h.shape[1]), dtype=h.dtype).at[dst2].add(msgs)
    return out + b


def setup_inputs(seed: int = 0) -> dict:
    key = jax.random.key(seed)
    ks = jax.random.split(key, 12)
    x = jax.random.normal(ks[0], (N, D), dtype=jnp.float32)
    edge_index = jax.random.randint(ks[1], (2, E), 0, N, dtype=jnp.int32)
    s = 0.05
    W1 = jax.random.normal(ks[2], (D, WID), dtype=jnp.float32) * s
    b1 = jnp.zeros((WID,), dtype=jnp.float32)
    W2 = jax.random.normal(ks[3], (WID, C), dtype=jnp.float32) * s
    b2 = jnp.zeros((C,), dtype=jnp.float32)
    Ws1 = jax.random.normal(ks[4], (D, WID), dtype=jnp.float32) * s
    bs1 = jnp.zeros((WID,), dtype=jnp.float32)
    Ws2 = jax.random.normal(ks[5], (WID, C), dtype=jnp.float32) * s
    bs2 = jnp.zeros((C,), dtype=jnp.float32)
    p1 = jnp.array(1.0, dtype=jnp.float32)  # skip1 pruner gate weight (init=p_weight)
    p2 = jnp.array(1.0, dtype=jnp.float32)  # skip2 pruner gate weight
    return {"x": x, "W1": W1, "b1": b1, "W2": W2, "b2": b2,
            "Ws1": Ws1, "bs1": bs1, "Ws2": Ws2, "bs2": bs2,
            "p1": p1, "p2": p2, "edge_index": edge_index}


def reference(x, W1, b1, W2, b2, Ws1, bs1, Ws2, bs2, p1, p2, edge_index):
    # Config selects a single gcnconv in layer1 and layer2 and a single relu act,
    # so those PrunerEdges have prune=False (len==1). Skip1/Skip2 keep pruner gates.
    src = edge_index[0]
    dst = edge_index[1]
    n = x.shape[0]
    # layer1: GCNConv(D -> width)
    h = gcn_conv(x, src, dst, W1, b1, n)
    # act: ReLU
    h = jax.nn.relu(h)
    # skip1: pruner-gated Linear(D -> width)
    h = h + jax.nn.sigmoid(p1) * (x @ Ws1 + bs1)
    identity = h
    # dropout in eval mode -> identity
    # layer2: GCNConv(width -> num_classes)
    out = gcn_conv(h, src, dst, W2, b2, n)
    # skip2: pruner-gated Linear(width -> num_classes)
    out = out + jax.nn.sigmoid(p2) * (identity @ Ws2 + bs2)
    return out

if __name__ == "__main__":
    import jax
    _d = setup_inputs()
    print(jax.jit(kernel)(*tuple(_d.values())))

</pallas_src>

<mosaic_0001>
#map = affine_map<(d0, d1) -> (0, 0)>
#map1 = affine_map<(d0, d1) -> (0, 0, 0)>
module attributes {stable_mosaic.version = 14 : i64} {
  func.func @_scat(%arg0: i32, %arg1: i32, %arg2: memref<10240x128xf32, #tpu.memory_space<hbm>>, %arg3: memref<2x4000x80xi32, #tpu.memory_space<hbm>>, %arg4: memref<10240x128xf32, #tpu.memory_space<hbm>>, %arg5: memref<2x10240x128xf32, #tpu.memory_space<hbm>>, %arg6: memref<162x80xi32, #tpu.memory_space<vmem>>, %arg7: memref<162x80xi32, #tpu.memory_space<vmem>>, %arg8: memref<80x128xf32, #tpu.memory_space<vmem>>, %arg9: memref<80x128xf32, #tpu.memory_space<vmem>>, %arg10: memref<10240x128xf32, #tpu.memory_space<vmem_shared>>, %arg11: memref<!tpu.dma_semaphore, #tpu.memory_space<semaphore_mem>>, %arg12: memref<!tpu.dma_semaphore, #tpu.memory_space<semaphore_mem>>, %arg13: memref<!tpu.dma_semaphore, #tpu.memory_space<semaphore_mem>>, %arg14: memref<!tpu.dma_semaphore, #tpu.memory_space<semaphore_mem>>) attributes {dimension_semantics = [#tpu.dimension_semantics<core_parallel>, #tpu.dimension_semantics<subcore_parallel>], iteration_bounds = array<i64: 2, 16>, scalar_prefetch = 0 : i64, scratch_operands = 9 : i64, tpu.core_type = #tpu.core_type<sc_vector_subcore>, window_params = [{transform_indices = #map}, {transform_indices = #map1}, {transform_indices = #map}, {transform_indices = #map1}]} {
    %mul3A = arith.constant 2 : i32
    %mul3A_0 = arith.muli %arg1, %mul3A : i32
    %add3A = arith.addi %mul3A_0, %arg0 : i32
    %mul3A_1 = arith.constant 640 : i32
    %mul3A_2 = arith.muli %arg1, %mul3A_1 : i32
    %mul3A_3 = arith.constant 640 : i32
    %mul3A_4 = arith.muli %arg1, %mul3A_3 : i32
    "tpu.region"() ({
      %run_scoped3A_28 = tpu.sem_alloc : memref<!tpu.dma_semaphore, #tpu.memory_space<semaphore_mem>>
      %dma_start3A = arith.constant 0 : i32
      %dma_start3A_29 = tpu.memref_slice %arg10[%mul3A_4, %dma_start3A] : memref<10240x128xf32, #tpu.memory_space<vmem_shared>> -> memref<640x128xf32, #tpu.memory_space<vmem_shared>>
      %dma_start3A_30 = arith.constant 0 : i32
      %dma_start3A_31 = tpu.memref_slice %arg4[%mul3A_2, %dma_start3A_30] : memref<10240x128xf32, #tpu.memory_space<hbm>> -> memref<640x128xf32, #tpu.memory_space<hbm>>
      tpu.enqueue_dma source(%dma_start3A_31 : memref<640x128xf32, #tpu.memory_space<hbm>>) target(%dma_start3A_29 : memref<640x128xf32, #tpu.memory_space<vmem_shared>>) target_semaphore(%run_scoped3A_28 : memref<!tpu.dma_semaphore, #tpu.memory_space<semaphore_mem>>)
      %dma_wait3A = arith.constant 0 : i32
      %dma_wait3A_32 = tpu.memref_slice %arg10[%mul3A_4, %dma_wait3A] : memref<10240x128xf32, #tpu.memory_space<vmem_shared>> -> memref<640x128xf32, #tpu.memory_space<vmem_shared>>
      %dma_wait3A_33 = arith.constant 0 : i32
      %dma_wait3A_34 = tpu.memref_slice %arg4[%mul3A_2, %dma_wait3A_33] : memref<10240x128xf32, #tpu.memory_space<hbm>> -> memref<640x128xf32, #tpu.memory_space<hbm>>
      tpu.wait_dma2 semaphore(%run_scoped3A_28 : memref<!tpu.dma_semaphore, #tpu.memory_space<semaphore_mem>>) src(%dma_wait3A_34 : memref<640x128xf32, #tpu.memory_space<hbm>>) dst(%dma_wait3A_32 : memref<640x128xf32, #tpu.memory_space<vmem_shared>>)
      tpu.yield
    }) : () -> ()
    %eq3A = arith.constant 0 : i32
    %eq3A_5 = arith.cmpi eq, %arg0, %eq3A : i32
    %mul3A_6 = arith.constant 162 : i32
    %mul3A_7 = arith.muli %arg1, %mul3A_6 : i32
    %add3A_8 = arith.constant 1408 : i32
    %add3A_9 = arith.addi %add3A_8, %mul3A_7 : i32
    %mul3A_10 = arith.constant 88 : i32
    %mul3A_11 = arith.muli %arg1, %mul3A_10 : i32
    %min3A = arith.constant 0 : i32
    %min3A_12 = arith.minsi %arg1, %min3A : i32
    %add3A_13 = arith.addi %mul3A_11, %min3A_12 : i32
    %select_n3A = arith.select %eq3A_5, %add3A_9, %add3A_13 : i32
    %run_scoped3A = arith.constant 0 : i32
    "tpu.region"() ({
      %run_scoped3A_28 = tpu.sem_alloc : memref<!tpu.dma_semaphore, #tpu.memory_space<semaphore_mem>>
      %dma_start3A = arith.constant 0 : i32
      %dma_start3A_29 = tpu.memref_slice %arg3[%run_scoped3A, %select_n3A, %dma_start3A] : memref<2x4000x80xi32, #tpu.memory_space<hbm>> -> memref<1x162x80xi32, #tpu.memory_space<hbm>>
      %dma_start3A_30 = tpu.memref_squeeze %dma_start3A_29 : memref<1x162x80xi32, #tpu.memory_space<hbm>> -> memref<162x80xi32, #tpu.memory_space<hbm>>
      %dma_start3A_31 = arith.constant 0 : i32
      %dma_start3A_32 = tpu.memref_slice %arg3[%run_scoped3A, %select_n3A, %dma_start3A_31] : memref<2x4000x80xi32, #tpu.memory_space<hbm>> -> memref<1x162x80xi32, #tpu.memory_space<hbm>>
      %dma_start3A_33 = tpu.memref_squeeze %dma_start3A_32 : memref<1x162x80xi32, #tpu.memory_space<hbm>> -> memref<162x80xi32, #tpu.memory_space<hbm>>
      tpu.enqueue_dma source(%dma_start3A_33 : memref<162x80xi32, #tpu.memory_space<hbm>>) target(%arg6 : memref<162x80xi32, #tpu.memory_space<vmem>>) target_semaphore(%run_scoped3A_28 : memref<!tpu.dma_semaphore, #tpu.memory_space<semaphore_mem>>)
      %dma_wait3A = arith.constant 0 : i32
      %dma_wait3A_34 = tpu.memref_slice %arg3[%run_scoped3A, %select_n3A, %dma_wait3A] : memref<2x4000x80xi32, #tpu.memory_space<hbm>> -> memref<1x162x80xi32, #tpu.memory_space<hbm>>
      %dma_wait3A_35 = tpu.memref_squeeze %dma_wait3A_34 : memref<1x162x80xi32, #tpu.memory_space<hbm>> -> memref<162x80xi32, #tpu.memory_space<hbm>>
      %dma_wait3A_36 = arith.constant 0 : i32
      %dma_wait3A_37 = tpu.memref_slice %arg3[%run_scoped3A, %select_n3A, %dma_wait3A_36] : memref<2x4000x80xi32, #tpu.memory_space<hbm>> -> memref<1x162x80xi32, #tpu.memory_space<hbm>>
      %dma_wait3A_38 = tpu.memref_squeeze %dma_wait3A_37 : memref<1x162x80xi32, #tpu.memory_space<hbm>> -> memref<162x80xi32, #tpu.memory_space<hbm>>
      tpu.wait_dma2 semaphore(%run_scoped3A_28 : memref<!tpu.dma_semaphore, #tpu.memory_space<semaphore_mem>>) src(%dma_wait3A_38 : memref<162x80xi32, #tpu.memory_space<hbm>>) dst(%arg6 : memref<162x80xi32, #tpu.memory_space<vmem>>)
      tpu.yield
    }) : () -> ()
    %run_scoped3A_14 = arith.constant 1 : i32
    "tpu.region"() ({
      %run_scoped3A_28 = tpu.sem_alloc : memref<!tpu.dma_semaphore, #tpu.memory_space<semaphore_mem>>
      %dma_start3A = arith.constant 0 : i32
      %dma_start3A_29 = tpu.memref_slice %arg3[%run_scoped3A_14, %select_n3A, %dma_start3A] : memref<2x4000x80xi32, #tpu.memory_space<hbm>> -> memref<1x162x80xi32, #tpu.memory_space<hbm>>
      %dma_start3A_30 = tpu.memref_squeeze %dma_start3A_29 : memref<1x162x80xi32, #tpu.memory_space<hbm>> -> memref<162x80xi32, #tpu.memory_space<hbm>>
      %dma_start3A_31 = arith.constant 0 : i32
      %dma_start3A_32 = tpu.memref_slice %arg3[%run_scoped3A_14, %select_n3A, %dma_start3A_31] : memref<2x4000x80xi32, #tpu.memory_space<hbm>> -> memref<1x162x80xi32, #tpu.memory_space<hbm>>
      %dma_start3A_33 = tpu.memref_squeeze %dma_start3A_32 : memref<1x162x80xi32, #tpu.memory_space<hbm>> -> memref<162x80xi32, #tpu.memory_space<hbm>>
      tpu.enqueue_dma source(%dma_start3A_33 : memref<162x80xi32, #tpu.memory_space<hbm>>) target(%arg7 : memref<162x80xi32, #tpu.memory_space<vmem>>) target_semaphore(%run_scoped3A_28 : memref<!tpu.dma_semaphore, #tpu.memory_space<semaphore_mem>>)
      %dma_wait3A = arith.constant 0 : i32
      %dma_wait3A_34 = tpu.memref_slice %arg3[%run_scoped3A_14, %select_n3A, %dma_wait3A] : memref<2x4000x80xi32, #tpu.memory_space<hbm>> -> memref<1x162x80xi32, #tpu.memory_space<hbm>>
      %dma_wait3A_35 = tpu.memref_squeeze %dma_wait3A_34 : memref<1x162x80xi32, #tpu.memory_space<hbm>> -> memref<162x80xi32, #tpu.memory_space<hbm>>
      %dma_wait3A_36 = arith.constant 0 : i32
      %dma_wait3A_37 = tpu.memref_slice %arg3[%run_scoped3A_14, %select_n3A, %dma_wait3A_36] : memref<2x4000x80xi32, #tpu.memory_space<hbm>> -> memref<1x162x80xi32, #tpu.memory_space<hbm>>
      %dma_wait3A_38 = tpu.memref_squeeze %dma_wait3A_37 : memref<1x162x80xi32, #tpu.memory_space<hbm>> -> memref<162x80xi32, #tpu.memory_space<hbm>>
      tpu.wait_dma2 semaphore(%run_scoped3A_28 : memref<!tpu.dma_semaphore, #tpu.memory_space<semaphore_mem>>) src(%dma_wait3A_38 : memref<162x80xi32, #tpu.memory_space<hbm>>) dst(%arg7 : memref<162x80xi32, #tpu.memory_space<vmem>>)
      tpu.yield
    }) : () -> ()
    %barrier3A = arith.constant 0 : index
    tpu.barrier barrier_id(%barrier3A)
    %eq3A_15 = arith.constant 0 : i32
    %eq3A_16 = arith.cmpi eq, %arg0, %eq3A_15 : i32
    %convert_element_type3A = arith.extui %eq3A_16 : i1 to i32
    %cond3A = arith.constant 0 : i32
    %cond3A_17 = arith.cmpi ne, %convert_element_type3A, %cond3A : i32
    scf.if %cond3A_17 {
      %dma_start3A = arith.constant 0 : i32
      %dma_start3A_28 = arith.constant 0 : i32
      %dma_start3A_29 = tpu.memref_slice %arg6[%dma_start3A, %dma_start3A_28] : memref<162x80xi32, #tpu.memory_space<vmem>> -> memref<1x80xi32, #tpu.memory_space<vmem>>
      %dma_start3A_30 = tpu.memref_squeeze %dma_start3A_29 : memref<1x80xi32, #tpu.memory_space<vmem>> -> memref<80xi32, #tpu.memory_space<vmem>>
      %dma_start3A_31 = arith.constant 0 : i32
      %dma_start3A_32 = arith.constant 0 : i32
      %dma_start3A_33 = tpu.memref_slice %arg2[%dma_start3A_31, %dma_start3A_32] : memref<10240x128xf32, #tpu.memory_space<hbm>> -> memref<10240x128xf32, #tpu.memory_space<hbm>>
      tpu.enqueue_indirect_dma source(%dma_start3A_33 : memref<10240x128xf32, #tpu.memory_space<hbm>>) target(%arg8 : memref<80x128xf32, #tpu.memory_space<vmem>>) offsets(%dma_start3A_30 : memref<80xi32, #tpu.memory_space<vmem>>) semaphore(%arg11 : memref<!tpu.dma_semaphore, #tpu.memory_space<semaphore_mem>>)
      %scan3A = arith.constant 0 : i32
      %scan3A_34 = arith.constant 0 : i32
      %scan3A_35 = arith.constant 81 : i32
      %scan3A_36 = arith.addi %scan3A_34, %scan3A_35 : i32
      %scan3A_37 = arith.constant 1 : i32
      scf.for %scan3A_45 = %scan3A_34 to %scan3A_36 step %scan3A_37  : i32 {
        %mul3A_46 = arith.constant 2 : i32
        %mul3A_47 = arith.muli %mul3A_46, %scan3A_45 : i32
        %add3A_48 = arith.constant 0 : i32
        %add3A_49 = arith.addi %mul3A_47, %add3A_48 : i32
        %gt3A = arith.constant 0 : i32
        %gt3A_50 = arith.cmpi sgt, %add3A_49, %gt3A : i32
        %convert_element_type3A_51 = arith.extui %gt3A_50 : i1 to i32
        %cond3A_52 = arith.constant 0 : i32
        %cond3A_53 = arith.cmpi ne, %convert_element_type3A_51, %cond3A_52 : i32
        scf.if %cond3A_53 {
          %dma_wait3A_103 = arith.constant 0 : i32
          %dma_wait3A_104 = tpu.memref_slice %arg7[%add3A_49, %dma_wait3A_103] : memref<162x80xi32, #tpu.memory_space<vmem>> -> memref<1x80xi32, #tpu.memory_space<vmem>>
          %dma_wait3A_105 = tpu.memref_squeeze %dma_wait3A_104 : memref<1x80xi32, #tpu.memory_space<vmem>> -> memref<80xi32, #tpu.memory_space<vmem>>
          %dma_wait3A_106 = arith.constant 0 : i32
          %dma_wait3A_107 = arith.constant 0 : i32
          %dma_wait3A_108 = tpu.memref_slice %arg10[%dma_wait3A_106, %dma_wait3A_107] : memref<10240x128xf32, #tpu.memory_space<vmem_shared>> -> memref<10240x128xf32, #tpu.memory_space<vmem_shared>>
          tpu.wait_indirect_dma semaphore(%arg14 : memref<!tpu.dma_semaphore, #tpu.memory_space<semaphore_mem>>) src(%arg9 : memref<80x128xf32, #tpu.memory_space<vmem>>) dst(%dma_wait3A_108 : memref<10240x128xf32, #tpu.memory_space<vmem_shared>>)
        } else {
        }
        %add3A_54 = arith.constant 2 : i32
        %add3A_55 = arith.addi %add3A_49, %add3A_54 : i32
        %sub3A = arith.constant 1 : i32
        %sub3A_56 = arith.subi %add3A_55, %sub3A : i32
        %lt3A = arith.constant 162 : i32
        %lt3A_57 = arith.cmpi slt, %sub3A_56, %lt3A : i32
        %convert_element_type3A_58 = arith.extui %lt3A_57 : i1 to i32
        %cond3A_59 = arith.constant 0 : i32
        %cond3A_60 = arith.cmpi ne, %convert_element_type3A_58, %cond3A_59 : i32
        scf.if %cond3A_60 {
          %add3A_103 = arith.constant 2 : i32
          %add3A_104 = arith.addi %add3A_49, %add3A_103 : i32
          %sub3A_105 = arith.constant 1 : i32
          %sub3A_106 = arith.subi %add3A_104, %sub3A_105 : i32
          %dma_start3A_107 = arith.constant 0 : i32
          %dma_start3A_108 = tpu.memref_slice %arg6[%sub3A_106, %dma_start3A_107] : memref<162x80xi32, #tpu.memory_space<vmem>> -> memref<1x80xi32, #tpu.memory_space<vmem>>
          %dma_start3A_109 = tpu.memref_squeeze %dma_start3A_108 : memref<1x80xi32, #tpu.memory_space<vmem>> -> memref<80xi32, #tpu.memory_space<vmem>>
          %dma_start3A_110 = arith.constant 0 : i32
          %dma_start3A_111 = arith.constant 0 : i32
          %dma_start3A_112 = tpu.memref_slice %arg2[%dma_start3A_110, %dma_start3A_111] : memref<10240x128xf32, #tpu.memory_space<hbm>> -> memref<10240x128xf32, #tpu.memory_space<hbm>>
          tpu.enqueue_indirect_dma source(%dma_start3A_112 : memref<10240x128xf32, #tpu.memory_space<hbm>>) target(%arg9 : memref<80x128xf32, #tpu.memory_space<vmem>>) offsets(%dma_start3A_109 : memref<80xi32, #tpu.memory_space<vmem>>) semaphore(%arg12 : memref<!tpu.dma_semaphore, #tpu.memory_space<semaphore_mem>>)
        } else {
        }
        %dma_wait3A_61 = arith.constant 0 : i32
        %dma_wait3A_62 = tpu.memref_slice %arg6[%add3A_49, %dma_wait3A_61] : memref<162x80xi32, #tpu.memory_space<vmem>> -> memref<1x80xi32, #tpu.memory_space<vmem>>
        %dma_wait3A_63 = tpu.memref_squeeze %dma_wait3A_62 : memref<1x80xi32, #tpu.memory_space<vmem>> -> memref<80xi32, #tpu.memory_space<vmem>>
        %dma_wait3A_64 = arith.constant 0 : i32
        %dma_wait3A_65 = arith.constant 0 : i32
        %dma_wait3A_66 = tpu.memref_slice %arg2[%dma_wait3A_64, %dma_wait3A_65] : memref<10240x128xf32, #tpu.memory_space<hbm>> -> memref<10240x128xf32, #tpu.memory_space<hbm>>
        tpu.wait_indirect_dma semaphore(%arg11 : memref<!tpu.dma_semaphore, #tpu.memory_space<semaphore_mem>>) src(%dma_wait3A_66 : memref<10240x128xf32, #tpu.memory_space<hbm>>) dst(%arg8 : memref<80x128xf32, #tpu.memory_space<vmem>>)
        %dma_start3A_67 = arith.constant 0 : i32
        %dma_start3A_68 = tpu.memref_slice %arg7[%add3A_49, %dma_start3A_67] : memref<162x80xi32, #tpu.memory_space<vmem>> -> memref<1x80xi32, #tpu.memory_space<vmem>>
        %dma_start3A_69 = tpu.memref_squeeze %dma_start3A_68 : memref<1x80xi32, #tpu.memory_space<vmem>> -> memref<80xi32, #tpu.memory_space<vmem>>
        %dma_start3A_70 = arith.constant 0 : i32
        %dma_start3A_71 = arith.constant 0 : i32
        %dma_start3A_72 = tpu.memref_slice %arg10[%dma_start3A_70, %dma_start3A_71] : memref<10240x128xf32, #tpu.memory_space<vmem_shared>> -> memref<10240x128xf32, #tpu.memory_space<vmem_shared>>
        tpu.enqueue_indirect_dma source(%arg8 : memref<80x128xf32, #tpu.memory_space<vmem>>) target(%dma_start3A_72 : memref<10240x128xf32, #tpu.memory_space<vmem_shared>>) offsets(%dma_start3A_69 : memref<80xi32, #tpu.memory_space<vmem>>) semaphore(%arg13 : memref<!tpu.dma_semaphore, #tpu.memory_space<semaphore_mem>>) {add = true}
        %mul3A_73 = arith.constant 2 : i32
        %mul3A_74 = arith.muli %mul3A_73, %scan3A_45 : i32
        %add3A_75 = arith.constant 1 : i32
        %add3A_76 = arith.addi %mul3A_74, %add3A_75 : i32
        %gt3A_77 = arith.constant 0 : i32
        %gt3A_78 = arith.cmpi sgt, %add3A_76, %gt3A_77 : i32
        %convert_element_type3A_79 = arith.extui %gt3A_78 : i1 to i32
        %cond3A_80 = arith.constant 0 : i32
        %cond3A_81 = arith.cmpi ne, %convert_element_type3A_79, %cond3A_80 : i32
        scf.if %cond3A_81 {
          %dma_wait3A_103 = arith.constant 0 : i32
          %dma_wait3A_104 = tpu.memref_slice %arg7[%add3A_76, %dma_wait3A_103] : memref<162x80xi32, #tpu.memory_space<vmem>> -> memref<1x80xi32, #tpu.memory_space<vmem>>
          %dma_wait3A_105 = tpu.memref_squeeze %dma_wait3A_104 : memref<1x80xi32, #tpu.memory_space<vmem>> -> memref<80xi32, #tpu.memory_space<vmem>>
          %dma_wait3A_106 = arith.constant 0 : i32
          %dma_wait3A_107 = arith.constant 0 : i32
          %dma_wait3A_108 = tpu.memref_slice %arg10[%dma_wait3A_106, %dma_wait3A_107] : memref<10240x128xf32, #tpu.memory_space<vmem_shared>> -> memref<10240x128xf32, #tpu.memory_space<vmem_shared>>
          tpu.wait_indirect_dma semaphore(%arg13 : memref<!tpu.dma_semaphore, #tpu.memory_space<semaphore_mem>>) src(%arg8 : memref<80x128xf32, #tpu.memory_space<vmem>>) dst(%dma_wait3A_108 : memref<10240x128xf32, #tpu.memory_space<vmem_shared>>)
        } else {
        }
        %add3A_82 = arith.constant 2 : i32
        %add3A_83 = arith.addi %add3A_76, %add3A_82 : i32
        %sub3A_84 = arith.constant 1 : i32
        %sub3A_85 = arith.subi %add3A_83, %sub3A_84 : i32
        %lt3A_86 = arith.constant 162 : i32
        %lt3A_87 = arith.cmpi slt, %sub3A_85, %lt3A_86 : i32
        %convert_element_type3A_88 = arith.extui %lt3A_87 : i1 to i32
        %cond3A_89 = arith.constant 0 : i32
        %cond3A_90 = arith.cmpi ne, %convert_element_type3A_88, %cond3A_89 : i32
        scf.if %cond3A_90 {
          %add3A_103 = arith.constant 2 : i32
          %add3A_104 = arith.addi %add3A_76, %add3A_103 : i32
          %sub3A_105 = arith.constant 1 : i32
          %sub3A_106 = arith.subi %add3A_104, %sub3A_105 : i32
          %dma_start3A_107 = arith.constant 0 : i32
          %dma_start3A_108 = tpu.memref_slice %arg6[%sub3A_106, %dma_start3A_107] : memref<162x80xi32, #tpu.memory_space<vmem>> -> memref<1x80xi32, #tpu.memory_space<vmem>>
          %dma_start3A_109 = tpu.memref_squeeze %dma_start3A_108 : memref<1x80xi32, #tpu.memory_space<vmem>> -> memref<80xi32, #tpu.memory_space<vmem>>
          %dma_start3A_110 = arith.constant 0 : i32
          %dma_start3A_111 = arith.constant 0 : i32
          %dma_start3A_112 = tpu.memref_slice %arg2[%dma_start3A_110, %dma_start3A_111] : memref<10240x128xf32, #tpu.memory_space<hbm>> -> memref<10240x128xf32, #tpu.memory_space<hbm>>
          tpu.enqueue_indirect_dma source(%dma_start3A_112 : memref<10240x128xf32, #tpu.memory_space<hbm>>) target(%arg8 : memref<80x128xf32, #tpu.memory_space<vmem>>) offsets(%dma_start3A_109 : memref<80xi32, #tpu.memory_space<vmem>>) semaphore(%arg11 : memref<!tpu.dma_semaphore, #tpu.memory_space<semaphore_mem>>)
        } else {
        }
        %dma_wait3A_91 = arith.constant 0 : i32
        %dma_wait3A_92 = tpu.memref_slice %arg6[%add3A_76, %dma_wait3A_91] : memref<162x80xi32, #tpu.memory_space<vmem>> -> memref<1x80xi32, #tpu.memory_space<vmem>>
        %dma_wait3A_93 = tpu.memref_squeeze %dma_wait3A_92 : memref<1x80xi32, #tpu.memory_space<vmem>> -> memref<80xi32, #tpu.memory_space<vmem>>
        %dma_wait3A_94 = arith.constant 0 : i32
        %dma_wait3A_95 = arith.constant 0 : i32
        %dma_wait3A_96 = tpu.memref_slice %arg2[%dma_wait3A_94, %dma_wait3A_95] : memref<10240x128xf32, #tpu.memory_space<hbm>> -> memref<10240x128xf32, #tpu.memory_space<hbm>>
        tpu.wait_indirect_dma semaphore(%arg12 : memref<!tpu.dma_semaphore, #tpu.memory_space<semaphore_mem>>) src(%dma_wait3A_96 : memref<10240x128xf32, #tpu.memory_space<hbm>>) dst(%arg9 : memref<80x128xf32, #tpu.memory_space<vmem>>)
        %dma_start3A_97 = arith.constant 0 : i32
        %dma_start3A_98 = tpu.memref_slice %arg7[%add3A_76, %dma_start3A_97] : memref<162x80xi32, #tpu.memory_space<vmem>> -> memref<1x80xi32, #tpu.memory_space<vmem>>
        %dma_start3A_99 = tpu.memref_squeeze %dma_start3A_98 : memref<1x80xi32, #tpu.memory_space<vmem>> -> memref<80xi32, #tpu.memory_space<vmem>>
        %dma_start3A_100 = arith.constant 0 : i32
        %dma_start3A_101 = arith.constant 0 : i32
        %dma_start3A_102 = tpu.memref_slice %arg10[%dma_start3A_100, %dma_start3A_101] : memref<10240x128xf32, #tpu.memory_space<vmem_shared>> -> memref<10240x128xf32, #tpu.memory_space<vmem_shared>>
        tpu.enqueue_indirect_dma source(%arg9 : memref<80x128xf32, #tpu.memory_space<vmem>>) target(%dma_start3A_102 : memref<10240x128xf32, #tpu.memory_space<vmem_shared>>) offsets(%dma_start3A_99 : memref<80xi32, #tpu.memory_space<vmem>>) semaphore(%arg14 : memref<!tpu.dma_semaphore, #tpu.memory_space<semaphore_mem>>) {add = true}
      }
      %scan3A_38 = arith.constant 81 : i32
      %dma_wait3A = arith.constant 0 : i32
      %dma_wait3A_39 = arith.constant 0 : i32
      %dma_wait3A_40 = tpu.memref_slice %arg7[%dma_wait3A, %dma_wait3A_39] : memref<162x80xi32, #tpu.memory_space<vmem>> -> memref<1x80xi32, #tpu.memory_space<vmem>>
      %dma_wait3A_41 = tpu.memref_squeeze %dma_wait3A_40 : memref<1x80xi32, #tpu.memory_space<vmem>> -> memref<80xi32, #tpu.memory_space<vmem>>
      %dma_wait3A_42 = arith.constant 0 : i32
      %dma_wait3A_43 = arith.constant 0 : i32
      %dma_wait3A_44 = tpu.memref_slice %arg10[%dma_wait3A_42, %dma_wait3A_43] : memref<10240x128xf32, #tpu.memory_space<vmem_shared>> -> memref<10240x128xf32, #tpu.memory_space<vmem_shared>>
      tpu.wait_indirect_dma semaphore(%arg14 : memref<!tpu.dma_semaphore, #tpu.memory_space<semaphore_mem>>) src(%arg9 : memref<80x128xf32, #tpu.memory_space<vmem>>) dst(%dma_wait3A_44 : memref<10240x128xf32, #tpu.memory_space<vmem_shared>>)
    } else {
    }
    %eq3A_18 = arith.constant 1 : i32
    %eq3A_19 = arith.cmpi eq, %arg0, %eq3A_18 : i32
    %convert_element_type3A_20 = arith.extui %eq3A_19 : i1 to i32
    %cond3A_21 = arith.constant 0 : i32
    %cond3A_22 = arith.cmpi ne, %convert_element_type3A_20, %cond3A_21 : i32
    scf.if %cond3A_22 {
      %scan3A = arith.constant 0 : i32
      %scan3A_28 = arith.constant 0 : i32
      %scan3A_29 = arith.constant 88 : i32
      %scan3A_30 = arith.addi %scan3A_28, %scan3A_29 : i32
      %scan3A_31 = arith.constant 1 : i32
      scf.for %scan3A_33 = %scan3A_28 to %scan3A_30 step %scan3A_31  : i32 {
        %dma_start3A = arith.constant 0 : i32
        %dma_start3A_34 = tpu.memref_slice %arg6[%scan3A_33, %dma_start3A] : memref<162x80xi32, #tpu.memory_space<vmem>> -> memref<1x80xi32, #tpu.memory_space<vmem>>
        %dma_start3A_35 = tpu.memref_squeeze %dma_start3A_34 : memref<1x80xi32, #tpu.memory_space<vmem>> -> memref<80xi32, #tpu.memory_space<vmem>>
        %dma_start3A_36 = arith.constant 0 : i32
        %dma_start3A_37 = arith.constant 0 : i32
        %dma_start3A_38 = tpu.memref_slice %arg2[%dma_start3A_36, %dma_start3A_37] : memref<10240x128xf32, #tpu.memory_space<hbm>> -> memref<10240x128xf32, #tpu.memory_space<hbm>>
        tpu.enqueue_indirect_dma source(%dma_start3A_38 : memref<10240x128xf32, #tpu.memory_space<hbm>>) target(%arg8 : memref<80x128xf32, #tpu.memory_space<vmem>>) offsets(%dma_start3A_35 : memref<80xi32, #tpu.memory_space<vmem>>) semaphore(%arg11 : memref<!tpu.dma_semaphore, #tpu.memory_space<semaphore_mem>>)
        %dma_wait3A = arith.constant 0 : i32
        %dma_wait3A_39 = tpu.memref_slice %arg6[%scan3A_33, %dma_wait3A] : memref<162x80xi32, #tpu.memory_space<vmem>> -> memref<1x80xi32, #tpu.memory_space<vmem>>
        %dma_wait3A_40 = tpu.memref_squeeze %dma_wait3A_39 : memref<1x80xi32, #tpu.memory_space<vmem>> -> memref<80xi32, #tpu.memory_space<vmem>>
        %dma_wait3A_41 = arith.constant 0 : i32
        %dma_wait3A_42 = arith.constant 0 : i32
        %dma_wait3A_43 = tpu.memref_slice %arg2[%dma_wait3A_41, %dma_wait3A_42] : memref<10240x128xf32, #tpu.memory_space<hbm>> -> memref<10240x128xf32, #tpu.memory_space<hbm>>
        tpu.wait_indirect_dma semaphore(%arg11 : memref<!tpu.dma_semaphore, #tpu.memory_space<semaphore_mem>>) src(%dma_wait3A_43 : memref<10240x128xf32, #tpu.memory_space<hbm>>) dst(%arg8 : memref<80x128xf32, #tpu.memory_space<vmem>>)
        "tpu.region"() ({
          %run_scoped3A_44 = tpu.sem_alloc : memref<!tpu.dma_semaphore, #tpu.memory_space<semaphore_mem>>
          %dma_start3A_45 = arith.constant 0 : i32
          %dma_start3A_46 = tpu.memref_slice %arg7[%scan3A_33, %dma_start3A_45] : memref<162x80xi32, #tpu.memory_space<vmem>> -> memref<1x80xi32, #tpu.memory_space<vmem>>
          %dma_start3A_47 = tpu.memref_squeeze %dma_start3A_46 : memref<1x80xi32, #tpu.memory_space<vmem>> -> memref<80xi32, #tpu.memory_space<vmem>>
          %dma_start3A_48 = arith.constant 0 : i32
          %dma_start3A_49 = arith.constant 0 : i32
          %dma_start3A_50 = tpu.memref_slice %arg10[%dma_start3A_48, %dma_start3A_49] : memref<10240x128xf32, #tpu.memory_space<vmem_shared>> -> memref<10240x128xf32, #tpu.memory_space<vmem_shared>>
          tpu.enqueue_indirect_dma source(%arg8 : memref<80x128xf32, #tpu.memory_space<vmem>>) target(%dma_start3A_50 : memref<10240x128xf32, #tpu.memory_space<vmem_shared>>) offsets(%dma_start3A_47 : memref<80xi32, #tpu.memory_space<vmem>>) semaphore(%run_scoped3A_44 : memref<!tpu.dma_semaphore, #tpu.memory_space<semaphore_mem>>) {add = true}
          %dma_wait3A_51 = arith.constant 0 : i32
          %dma_wait3A_52 = tpu.memref_slice %arg7[%scan3A_33, %dma_wait3A_51] : memref<162x80xi32, #tpu.memory_space<vmem>> -> memref<1x80xi32, #tpu.memory_space<vmem>>
          %dma_wait3A_53 = tpu.memref_squeeze %dma_wait3A_52 : memref<1x80xi32, #tpu.memory_space<vmem>> -> memref<80xi32, #tpu.memory_space<vmem>>
          %dma_wait3A_54 = arith.constant 0 : i32
          %dma_wait3A_55 = arith.constant 0 : i32
          %dma_wait3A_56 = tpu.memref_slice %arg10[%dma_wait3A_54, %dma_wait3A_55] : memref<10240x128xf32, #tpu.memory_space<vmem_shared>> -> memref<10240x128xf32, #tpu.memory_space<vmem_shared>>
          tpu.wait_indirect_dma semaphore(%run_scoped3A_44 : memref<!tpu.dma_semaphore, #tpu.memory_space<semaphore_mem>>) src(%arg8 : memref<80x128xf32, #tpu.memory_space<vmem>>) dst(%dma_wait3A_56 : memref<10240x128xf32, #tpu.memory_space<vmem_shared>>)
          tpu.yield
        }) : () -> ()
      }
      %scan3A_32 = arith.constant 88 : i32
    } else {
    }
    %barrier3A_23 = arith.constant 0 : index
    tpu.barrier barrier_id(%barrier3A_23)
    %mul3A_24 = arith.constant 640 : i32
    %mul3A_25 = arith.muli %arg1, %mul3A_24 : i32
    %mul3A_26 = arith.constant 640 : i32
    %mul3A_27 = arith.muli %arg1, %mul3A_26 : i32
    "tpu.region"() ({
      %run_scoped3A_28 = tpu.sem_alloc : memref<!tpu.dma_semaphore, #tpu.memory_space<semaphore_mem>>
      %dma_start3A = arith.constant 0 : i32
      %dma_start3A_29 = tpu.memref_slice %arg5[%arg0, %mul3A_27, %dma_start3A] : memref<2x10240x128xf32, #tpu.memory_space<hbm>> -> memref<1x640x128xf32, #tpu.memory_space<hbm>>
      %dma_start3A_30 = tpu.memref_squeeze %dma_start3A_29 : memref<1x640x128xf32, #tpu.memory_space<hbm>> -> memref<640x128xf32, #tpu.memory_space<hbm>>
      %dma_start3A_31 = arith.constant 0 : i32
      %dma_start3A_32 = tpu.memref_slice %arg10[%mul3A_25, %dma_start3A_31] : memref<10240x128xf32, #tpu.memory_space<vmem_shared>> -> memref<640x128xf32, #tpu.memory_space<vmem_shared>>
      tpu.enqueue_dma source(%dma_start3A_32 : memref<640x128xf32, #tpu.memory_space<vmem_shared>>) target(%dma_start3A_30 : memref<640x128xf32, #tpu.memory_space<hbm>>) target_semaphore(%run_scoped3A_28 : memref<!tpu.dma_semaphore, #tpu.memory_space<semaphore_mem>>)
      %dma_wait3A = arith.constant 0 : i32
      %dma_wait3A_33 = tpu.memref_slice %arg5[%arg0, %mul3A_27, %dma_wait3A] : memref<2x10240x128xf32, #tpu.memory_space<hbm>> -> memref<1x640x128xf32, #tpu.memory_space<hbm>>
      %dma_wait3A_34 = tpu.memref_squeeze %dma_wait3A_33 : memref<1x640x128xf32, #tpu.memory_space<hbm>> -> memref<640x128xf32, #tpu.memory_space<hbm>>
      %dma_wait3A_35 = arith.constant 0 : i32
      %dma_wait3A_36 = tpu.memref_slice %arg10[%mul3A_25, %dma_wait3A_35] : memref<10240x128xf32, #tpu.memory_space<vmem_shared>> -> memref<640x128xf32, #tpu.memory_space<vmem_shared>>
      tpu.wait_dma2 semaphore(%run_scoped3A_28 : memref<!tpu.dma_semaphore, #tpu.memory_space<semaphore_mem>>) src(%dma_wait3A_36 : memref<640x128xf32, #tpu.memory_space<vmem_shared>>) dst(%dma_wait3A_34 : memref<640x128xf32, #tpu.memory_space<hbm>>)
      tpu.yield
    }) : () -> ()
    return
  }
}

#map = affine_map<(d0, d1) -> (0, 0, 0)>
#map1 = affine_map<(d0, d1) -> (0, 0)>
module attributes {stable_mosaic.version = 14 : i64} {
  func.func @_sc_prep(%arg0: i32, %arg1: i32, %arg2: memref<2x32x10000xi32, #tpu.memory_space<hbm>>, %arg3: memref<32x10240xf32, #tpu.memory_space<hbm>>, %arg4: memref<10000xi32, #tpu.memory_space<vmem>>, %arg5: memref<10240xf32, #tpu.memory_space<vmem>>) attributes {dimension_semantics = [#tpu.dimension_semantics<core_parallel>, #tpu.dimension_semantics<subcore_parallel>], iteration_bounds = array<i64: 2, 16>, scalar_prefetch = 0 : i64, scratch_operands = 2 : i64, tpu.core_type = #tpu.core_type<sc_vector_subcore>, window_params = [{transform_indices = #map}, {transform_indices = #map1}]} {
    %mul3A = arith.constant 2 : i32
    %mul3A_0 = arith.muli %arg1, %mul3A : i32
    %add3A = arith.addi %mul3A_0, %arg0 : i32
    %run_scoped3A = arith.constant 1 : i32
    "tpu.region"() ({
      %run_scoped3A_15 = tpu.sem_alloc : memref<!tpu.dma_semaphore, #tpu.memory_space<semaphore_mem>>
      %dma_start3A = arith.constant 0 : i32
      %dma_start3A_16 = tpu.memref_slice %arg2[%run_scoped3A, %add3A, %dma_start3A] : memref<2x32x10000xi32, #tpu.memory_space<hbm>> -> memref<1x1x10000xi32, #tpu.memory_space<hbm>>
      %dma_start3A_17 = tpu.memref_squeeze %dma_start3A_16 : memref<1x1x10000xi32, #tpu.memory_space<hbm>> -> memref<10000xi32, #tpu.memory_space<hbm>>
      %dma_start3A_18 = arith.constant 0 : i32
      %dma_start3A_19 = tpu.memref_slice %arg2[%run_scoped3A, %add3A, %dma_start3A_18] : memref<2x32x10000xi32, #tpu.memory_space<hbm>> -> memref<1x1x10000xi32, #tpu.memory_space<hbm>>
      %dma_start3A_20 = tpu.memref_squeeze %dma_start3A_19 : memref<1x1x10000xi32, #tpu.memory_space<hbm>> -> memref<10000xi32, #tpu.memory_space<hbm>>
      tpu.enqueue_dma source(%dma_start3A_20 : memref<10000xi32, #tpu.memory_space<hbm>>) target(%arg4 : memref<10000xi32, #tpu.memory_space<vmem>>) target_semaphore(%run_scoped3A_15 : memref<!tpu.dma_semaphore, #tpu.memory_space<semaphore_mem>>)
      %dma_wait3A = arith.constant 0 : i32
      %dma_wait3A_21 = tpu.memref_slice %arg2[%run_scoped3A, %add3A, %dma_wait3A] : memref<2x32x10000xi32, #tpu.memory_space<hbm>> -> memref<1x1x10000xi32, #tpu.memory_space<hbm>>
      %dma_wait3A_22 = tpu.memref_squeeze %dma_wait3A_21 : memref<1x1x10000xi32, #tpu.memory_space<hbm>> -> memref<10000xi32, #tpu.memory_space<hbm>>
      %dma_wait3A_23 = arith.constant 0 : i32
      %dma_wait3A_24 = tpu.memref_slice %arg2[%run_scoped3A, %add3A, %dma_wait3A_23] : memref<2x32x10000xi32, #tpu.memory_space<hbm>> -> memref<1x1x10000xi32, #tpu.memory_space<hbm>>
      %dma_wait3A_25 = tpu.memref_squeeze %dma_wait3A_24 : memref<1x1x10000xi32, #tpu.memory_space<hbm>> -> memref<10000xi32, #tpu.memory_space<hbm>>
      tpu.wait_dma2 semaphore(%run_scoped3A_15 : memref<!tpu.dma_semaphore, #tpu.memory_space<semaphore_mem>>) src(%dma_wait3A_25 : memref<10000xi32, #tpu.memory_space<hbm>>) dst(%arg4 : memref<10000xi32, #tpu.memory_space<vmem>>)
      tpu.yield
    }) : () -> ()
    %broadcast_in_dim3A = arith.constant 0.000000e+00 : f32
    %broadcast_in_dim3A_1 = vector.broadcast %broadcast_in_dim3A : f32 to vector<16xf32>
    %scan3A = arith.constant 0 : i32
    %scan3A_2 = arith.constant 0 : i32
    %scan3A_3 = arith.constant 640 : i32
    %scan3A_4 = arith.addi %scan3A_2, %scan3A_3 : i32
    %scan3A_5 = arith.constant 1 : i32
    scf.for %scan3A_15 = %scan3A_2 to %scan3A_4 step %scan3A_5  : i32 {
      %mul3A_16 = arith.constant 16 : i32
      %mul3A_17 = arith.muli %scan3A_15, %mul3A_16 : i32
      %swap3A = arith.index_cast %mul3A_17 : i32 to index
      %swap3A_18 = tpu.vector_load %arg5[%swap3A] {strides = array<i32>} : memref<10240xf32, #tpu.memory_space<vmem>>, vector<16xf32>,
      tpu.vector_store %arg5[%swap3A], %broadcast_in_dim3A_1 {strides = array<i32>} : memref<10240xf32, #tpu.memory_space<vmem>>, vector<16xf32>,
    }
    %scan3A_6 = arith.constant 640 : i32
    %broadcast_in_dim3A_7 = arith.constant 1.000000e+00 : f32
    %broadcast_in_dim3A_8 = vector.broadcast %broadcast_in_dim3A_7 : f32 to vector<16xf32>
    %scan3A_9 = arith.constant 0 : i32
    %scan3A_10 = arith.constant 0 : i32
    %scan3A_11 = arith.constant 625 : i32
    %scan3A_12 = arith.addi %scan3A_10, %scan3A_11 : i32
    %scan3A_13 = arith.constant 1 : i32
    scf.for %scan3A_15 = %scan3A_10 to %scan3A_12 step %scan3A_13  : i32 {
      %mul3A_16 = arith.constant 16 : i32
      %mul3A_17 = arith.muli %scan3A_15, %mul3A_16 : i32
      %get3A = arith.index_cast %mul3A_17 : i32 to index
      %get3A_18 = tpu.vector_load %arg4[%get3A] {strides = array<i32>} : memref<10000xi32, #tpu.memory_space<vmem>>, vector<16xi32>,
      tpu.vector_store_idx %arg5[%get3A_18], %broadcast_in_dim3A_8 {add = true} : memref<10240xf32, #tpu.memory_space<vmem>>[vector<16xi32>], vector<16xf32>,
    }
    %scan3A_14 = arith.constant 625 : i32
    "tpu.region"() ({
      %run_scoped3A_15 = tpu.sem_alloc : memref<!tpu.dma_semaphore, #tpu.memory_space<semaphore_mem>>
      %dma_start3A = arith.constant 0 : i32
      %dma_start3A_16 = tpu.memref_slice %arg3[%add3A, %dma_start3A] : memref<32x10240xf32, #tpu.memory_space<hbm>> -> memref<1x10240xf32, #tpu.memory_space<hbm>>
      %dma_start3A_17 = tpu.memref_squeeze %dma_start3A_16 : memref<1x10240xf32, #tpu.memory_space<hbm>> -> memref<10240xf32, #tpu.memory_space<hbm>>
      %dma_start3A_18 = arith.constant 0 : i32
      %dma_start3A_19 = tpu.memref_slice %arg3[%add3A, %dma_start3A_18] : memref<32x10240xf32, #tpu.memory_space<hbm>> -> memref<1x10240xf32, #tpu.memory_space<hbm>>
      %dma_start3A_20 = tpu.memref_squeeze %dma_start3A_19 : memref<1x10240xf32, #tpu.memory_space<hbm>> -> memref<10240xf32, #tpu.memory_space<hbm>>
      tpu.enqueue_dma source(%arg5 : memref<10240xf32, #tpu.memory_space<vmem>>) target(%dma_start3A_20 : memref<10240xf32, #tpu.memory_space<hbm>>) target_semaphore(%run_scoped3A_15 : memref<!tpu.dma_semaphore, #tpu.memory_space<semaphore_mem>>)
      %dma_wait3A = arith.constant 0 : i32
      %dma_wait3A_21 = tpu.memref_slice %arg3[%add3A, %dma_wait3A] : memref<32x10240xf32, #tpu.memory_space<hbm>> -> memref<1x10240xf32, #tpu.memory_space<hbm>>
      %dma_wait3A_22 = tpu.memref_squeeze %dma_wait3A_21 : memref<1x10240xf32, #tpu.memory_space<hbm>> -> memref<10240xf32, #tpu.memory_space<hbm>>
      %dma_wait3A_23 = arith.constant 0 : i32
      %dma_wait3A_24 = tpu.memref_slice %arg3[%add3A, %dma_wait3A_23] : memref<32x10240xf32, #tpu.memory_space<hbm>> -> memref<1x10240xf32, #tpu.memory_space<hbm>>
      %dma_wait3A_25 = tpu.memref_squeeze %dma_wait3A_24 : memref<1x10240xf32, #tpu.memory_space<hbm>> -> memref<10240xf32, #tpu.memory_space<hbm>>
      tpu.wait_dma2 semaphore(%run_scoped3A_15 : memref<!tpu.dma_semaphore, #tpu.memory_space<semaphore_mem>>) src(%arg5 : memref<10240xf32, #tpu.memory_space<vmem>>) dst(%dma_wait3A_25 : memref<10240xf32, #tpu.memory_space<hbm>>)
      tpu.yield
    }) : () -> ()
    return
  }
}

#map = affine_map<(d0, d1) -> (0, 0)>
#map1 = affine_map<(d0, d1) -> (0, 0, 0)>
module attributes {stable_mosaic.version = 14 : i64} {
  func.func @_scat(%arg0: i32, %arg1: i32, %arg2: memref<10240x64xf32, #tpu.memory_space<hbm>>, %arg3: memref<2x2500x128xi32, #tpu.memory_space<hbm>>, %arg4: memref<10240x64xf32, #tpu.memory_space<hbm>>, %arg5: memref<2x10240x64xf32, #tpu.memory_space<hbm>>, %arg6: memref<111x128xi32, #tpu.memory_space<vmem>>, %arg7: memref<111x128xi32, #tpu.memory_space<vmem>>, %arg8: memref<128x64xf32, #tpu.memory_space<vmem>>, %arg9: memref<128x64xf32, #tpu.memory_space<vmem>>, %arg10: memref<128x64xf32, #tpu.memory_space<vmem>>, %arg11: memref<10240x64xf32, #tpu.memory_space<vmem_shared>>, %arg12: memref<!tpu.dma_semaphore, #tpu.memory_space<semaphore_mem>>, %arg13: memref<!tpu.dma_semaphore, #tpu.memory_space<semaphore_mem>>, %arg14: memref<!tpu.dma_semaphore, #tpu.memory_space<semaphore_mem>>, %arg15: memref<!tpu.dma_semaphore, #tpu.memory_space<semaphore_mem>>, %arg16: memref<!tpu.dma_semaphore, #tpu.memory_space<semaphore_mem>>, %arg17: memref<!tpu.dma_semaphore, #tpu.memory_space<semaphore_mem>>) attributes {dimension_semantics = [#tpu.dimension_semantics<core_parallel>, #tpu.dimension_semantics<subcore_parallel>], iteration_bounds = array<i64: 2, 16>, scalar_prefetch = 0 : i64, scratch_operands = 12 : i64, tpu.core_type = #tpu.core_type<sc_vector_subcore>, window_params = [{transform_indices = #map}, {transform_indices = #map1}, {transform_indices = #map}, {transform_indices = #map1}]} {
    %mul3A = arith.constant 2 : i32
    %mul3A_0 = arith.muli %arg1, %mul3A : i32
    %add3A = arith.addi %mul3A_0, %arg0 : i32
    %mul3A_1 = arith.constant 640 : i32
    %mul3A_2 = arith.muli %arg1, %mul3A_1 : i32
    %mul3A_3 = arith.constant 640 : i32
    %mul3A_4 = arith.muli %arg1, %mul3A_3 : i32
    "tpu.region"() ({
      %run_scoped3A_28 = tpu.sem_alloc : memref<!tpu.dma_semaphore, #tpu.memory_space<semaphore_mem>>
      %dma_start3A = arith.constant 0 : i32
      %dma_start3A_29 = tpu.memref_slice %arg11[%mul3A_4, %dma_start3A] : memref<10240x64xf32, #tpu.memory_space<vmem_shared>> -> memref<640x64xf32, #tpu.memory_space<vmem_shared>>
      %dma_start3A_30 = arith.constant 0 : i32
      %dma_start3A_31 = tpu.memref_slice %arg4[%mul3A_2, %dma_start3A_30] : memref<10240x64xf32, #tpu.memory_space<hbm>> -> memref<640x64xf32, #tpu.memory_space<hbm>>
      tpu.enqueue_dma source(%dma_start3A_31 : memref<640x64xf32, #tpu.memory_space<hbm>>) target(%dma_start3A_29 : memref<640x64xf32, #tpu.memory_space<vmem_shared>>) target_semaphore(%run_scoped3A_28 : memref<!tpu.dma_semaphore, #tpu.memory_space<semaphore_mem>>)
      %dma_wait3A = arith.constant 0 : i32
      %dma_wait3A_32 = tpu.memref_slice %arg11[%mul3A_4, %dma_wait3A] : memref<10240x64xf32, #tpu.memory_space<vmem_shared>> -> memref<640x64xf32, #tpu.memory_space<vmem_shared>>
      %dma_wait3A_33 = arith.constant 0 : i32
      %dma_wait3A_34 = tpu.memref_slice %arg4[%mul3A_2, %dma_wait3A_33] : memref<10240x64xf32, #tpu.memory_space<hbm>> -> memref<640x64xf32, #tpu.memory_space<hbm>>
      tpu.wait_dma2 semaphore(%run_scoped3A_28 : memref<!tpu.dma_semaphore, #tpu.memory_space<semaphore_mem>>) src(%dma_wait3A_34 : memref<640x64xf32, #tpu.memory_space<hbm>>) dst(%dma_wait3A_32 : memref<640x64xf32, #tpu.memory_space<vmem_shared>>)
      tpu.yield
    }) : () -> ()
    %eq3A = arith.constant 0 : i32
    %eq3A_5 = arith.cmpi eq, %arg0, %eq3A : i32
    %mul3A_6 = arith.constant 111 : i32
    %mul3A_7 = arith.muli %arg1, %mul3A_6 : i32
    %add3A_8 = arith.constant 724 : i32
    %add3A_9 = arith.addi %add3A_8, %mul3A_7 : i32
    %mul3A_10 = arith.constant 45 : i32
    %mul3A_11 = arith.muli %arg1, %mul3A_10 : i32
    %min3A = arith.constant 4 : i32
    %min3A_12 = arith.minsi %arg1, %min3A : i32
    %add3A_13 = arith.addi %mul3A_11, %min3A_12 : i32
    %select_n3A = arith.select %eq3A_5, %add3A_9, %add3A_13 : i32
    %run_scoped3A = arith.constant 0 : i32
    "tpu.region"() ({
      %run_scoped3A_28 = tpu.sem_alloc : memref<!tpu.dma_semaphore, #tpu.memory_space<semaphore_mem>>
      %dma_start3A = arith.constant 0 : i32
      %dma_start3A_29 = tpu.memref_slice %arg3[%run_scoped3A, %select_n3A, %dma_start3A] : memref<2x2500x128xi32, #tpu.memory_space<hbm>> -> memref<1x111x128xi32, #tpu.memory_space<hbm>>
      %dma_start3A_30 = tpu.memref_squeeze %dma_start3A_29 : memref<1x111x128xi32, #tpu.memory_space<hbm>> -> memref<111x128xi32, #tpu.memory_space<hbm>>
      %dma_start3A_31 = arith.constant 0 : i32
      %dma_start3A_32 = tpu.memref_slice %arg3[%run_scoped3A, %select_n3A, %dma_start3A_31] : memref<2x2500x128xi32, #tpu.memory_space<hbm>> -> memref<1x111x128xi32, #tpu.memory_space<hbm>>
      %dma_start3A_33 = tpu.memref_squeeze %dma_start3A_32 : memref<1x111x128xi32, #tpu.memory_space<hbm>> -> memref<111x128xi32, #tpu.memory_space<hbm>>
      tpu.enqueue_dma source(%dma_start3A_33 : memref<111x128xi32, #tpu.memory_space<hbm>>) target(%arg6 : memref<111x128xi32, #tpu.memory_space<vmem>>) target_semaphore(%run_scoped3A_28 : memref<!tpu.dma_semaphore, #tpu.memory_space<semaphore_mem>>)
      %dma_wait3A = arith.constant 0 : i32
      %dma_wait3A_34 = tpu.memref_slice %arg3[%run_scoped3A, %select_n3A, %dma_wait3A] : memref<2x2500x128xi32, #tpu.memory_space<hbm>> -> memref<1x111x128xi32, #tpu.memory_space<hbm>>
      %dma_wait3A_35 = tpu.memref_squeeze %dma_wait3A_34 : memref<1x111x128xi32, #tpu.memory_space<hbm>> -> memref<111x128xi32, #tpu.memory_space<hbm>>
      %dma_wait3A_36 = arith.constant 0 : i32
      %dma_wait3A_37 = tpu.memref_slice %arg3[%run_scoped3A, %select_n3A, %dma_wait3A_36] : memref<2x2500x128xi32, #tpu.memory_space<hbm>> -> memref<1x111x128xi32, #tpu.memory_space<hbm>>
      %dma_wait3A_38 = tpu.memref_squeeze %dma_wait3A_37 : memref<1x111x128xi32, #tpu.memory_space<hbm>> -> memref<111x128xi32, #tpu.memory_space<hbm>>
      tpu.wait_dma2 semaphore(%run_scoped3A_28 : memref<!tpu.dma_semaphore, #tpu.memory_space<semaphore_mem>>) src(%dma_wait3A_38 : memref<111x128xi32, #tpu.memory_space<hbm>>) dst(%arg6 : memref<111x128xi32, #tpu.memory_space<vmem>>)
      tpu.yield
    }) : () -> ()
    %run_scoped3A_14 = arith.constant 1 : i32
    "tpu.region"() ({
      %run_scoped3A_28 = tpu.sem_alloc : memref<!tpu.dma_semaphore, #tpu.memory_space<semaphore_mem>>
      %dma_start3A = arith.constant 0 : i32
      %dma_start3A_29 = tpu.memref_slice %arg3[%run_scoped3A_14, %select_n3A, %dma_start3A] : memref<2x2500x128xi32, #tpu.memory_space<hbm>> -> memref<1x111x128xi32, #tpu.memory_space<hbm>>
      %dma_start3A_30 = tpu.memref_squeeze %dma_start3A_29 : memref<1x111x128xi32, #tpu.memory_space<hbm>> -> memref<111x128xi32, #tpu.memory_space<hbm>>
      %dma_start3A_31 = arith.constant 0 : i32
      %dma_start3A_32 = tpu.memref_slice %arg3[%run_scoped3A_14, %select_n3A, %dma_start3A_31] : memref<2x2500x128xi32, #tpu.memory_space<hbm>> -> memref<1x111x128xi32, #tpu.memory_space<hbm>>
      %dma_start3A_33 = tpu.memref_squeeze %dma_start3A_32 : memref<1x111x128xi32, #tpu.memory_space<hbm>> -> memref<111x128xi32, #tpu.memory_space<hbm>>
      tpu.enqueue_dma source(%dma_start3A_33 : memref<111x128xi32, #tpu.memory_space<hbm>>) target(%arg7 : memref<111x128xi32, #tpu.memory_space<vmem>>) target_semaphore(%run_scoped3A_28 : memref<!tpu.dma_semaphore, #tpu.memory_space<semaphore_mem>>)
      %dma_wait3A = arith.constant 0 : i32
      %dma_wait3A_34 = tpu.memref_slice %arg3[%run_scoped3A_14, %select_n3A, %dma_wait3A] : memref<2x2500x128xi32, #tpu.memory_space<hbm>> -> memref<1x111x128xi32, #tpu.memory_space<hbm>>
      %dma_wait3A_35 = tpu.memref_squeeze %dma_wait3A_34 : memref<1x111x128xi32, #tpu.memory_space<hbm>> -> memref<111x128xi32, #tpu.memory_space<hbm>>
      %dma_wait3A_36 = arith.constant 0 : i32
      %dma_wait3A_37 = tpu.memref_slice %arg3[%run_scoped3A_14, %select_n3A, %dma_wait3A_36] : memref<2x2500x128xi32, #tpu.memory_space<hbm>> -> memref<1x111x128xi32, #tpu.memory_space<hbm>>
      %dma_wait3A_38 = tpu.memref_squeeze %dma_wait3A_37 : memref<1x111x128xi32, #tpu.memory_space<hbm>> -> memref<111x128xi32, #tpu.memory_space<hbm>>
      tpu.wait_dma2 semaphore(%run_scoped3A_28 : memref<!tpu.dma_semaphore, #tpu.memory_space<semaphore_mem>>) src(%dma_wait3A_38 : memref<111x128xi32, #tpu.memory_space<hbm>>) dst(%arg7 : memref<111x128xi32, #tpu.memory_space<vmem>>)
      tpu.yield
    }) : () -> ()
    %barrier3A = arith.constant 0 : index
    tpu.barrier barrier_id(%barrier3A)
    %eq3A_15 = arith.constant 0 : i32
    %eq3A_16 = arith.cmpi eq, %arg0, %eq3A_15 : i32
    %convert_element_type3A = arith.extui %eq3A_16 : i1 to i32
    %cond3A = arith.constant 0 : i32
    %cond3A_17 = arith.cmpi ne, %convert_element_type3A, %cond3A : i32
    scf.if %cond3A_17 {
      %dma_start3A = arith.constant 0 : i32
      %dma_start3A_28 = arith.constant 0 : i32
      %dma_start3A_29 = tpu.memref_slice %arg6[%dma_start3A, %dma_start3A_28] : memref<111x128xi32, #tpu.memory_space<vmem>> -> memref<1x128xi32, #tpu.memory_space<vmem>>
      %dma_start3A_30 = tpu.memref_squeeze %dma_start3A_29 : memref<1x128xi32, #tpu.memory_space<vmem>> -> memref<128xi32, #tpu.memory_space<vmem>>
      %dma_start3A_31 = arith.constant 0 : i32
      %dma_start3A_32 = arith.constant 0 : i32
      %dma_start3A_33 = tpu.memref_slice %arg2[%dma_start3A_31, %dma_start3A_32] : memref<10240x64xf32, #tpu.memory_space<hbm>> -> memref<10240x64xf32, #tpu.memory_space<hbm>>
      tpu.enqueue_indirect_dma source(%dma_start3A_33 : memref<10240x64xf32, #tpu.memory_space<hbm>>) target(%arg8 : memref<128x64xf32, #tpu.memory_space<vmem>>) offsets(%dma_start3A_30 : memref<128xi32, #tpu.memory_space<vmem>>) semaphore(%arg12 : memref<!tpu.dma_semaphore, #tpu.memory_space<semaphore_mem>>)
      %dma_start3A_34 = arith.constant 1 : i32
      %dma_start3A_35 = arith.constant 0 : i32
      %dma_start3A_36 = tpu.memref_slice %arg6[%dma_start3A_34, %dma_start3A_35] : memref<111x128xi32, #tpu.memory_space<vmem>> -> memref<1x128xi32, #tpu.memory_space<vmem>>
      %dma_start3A_37 = tpu.memref_squeeze %dma_start3A_36 : memref<1x128xi32, #tpu.memory_space<vmem>> -> memref<128xi32, #tpu.memory_space<vmem>>
      %dma_start3A_38 = arith.constant 0 : i32
      %dma_start3A_39 = arith.constant 0 : i32
      %dma_start3A_40 = tpu.memref_slice %arg2[%dma_start3A_38, %dma_start3A_39] : memref<10240x64xf32, #tpu.memory_space<hbm>> -> memref<10240x64xf32, #tpu.memory_space<hbm>>
      tpu.enqueue_indirect_dma source(%dma_start3A_40 : memref<10240x64xf32, #tpu.memory_space<hbm>>) target(%arg9 : memref<128x64xf32, #tpu.memory_space<vmem>>) offsets(%dma_start3A_37 : memref<128xi32, #tpu.memory_space<vmem>>) semaphore(%arg13 : memref<!tpu.dma_semaphore, #tpu.memory_space<semaphore_mem>>)
      %scan3A = arith.constant 0 : i32
      %scan3A_41 = arith.constant 0 : i32
      %scan3A_42 = arith.constant 37 : i32
      %scan3A_43 = arith.addi %scan3A_41, %scan3A_42 : i32
      %scan3A_44 = arith.constant 1 : i32
      scf.for %scan3A_52 = %scan3A_41 to %scan3A_43 step %scan3A_44  : i32 {
        %mul3A_53 = arith.constant 3 : i32
        %mul3A_54 = arith.muli %mul3A_53, %scan3A_52 : i32
        %add3A_55 = arith.constant 0 : i32
        %add3A_56 = arith.addi %mul3A_54, %add3A_55 : i32
        %gt3A = arith.constant 0 : i32
        %gt3A_57 = arith.cmpi sgt, %add3A_56, %gt3A : i32
        %convert_element_type3A_58 = arith.extui %gt3A_57 : i1 to i32
        %cond3A_59 = arith.constant 0 : i32
        %cond3A_60 = arith.cmpi ne, %convert_element_type3A_58, %cond3A_59 : i32
        scf.if %cond3A_60 {
          %dma_wait3A_140 = arith.constant 0 : i32
          %dma_wait3A_141 = tpu.memref_slice %arg7[%add3A_56, %dma_wait3A_140] : memref<111x128xi32, #tpu.memory_space<vmem>> -> memref<1x128xi32, #tpu.memory_space<vmem>>
          %dma_wait3A_142 = tpu.memref_squeeze %dma_wait3A_141 : memref<1x128xi32, #tpu.memory_space<vmem>> -> memref<128xi32, #tpu.memory_space<vmem>>
          %dma_wait3A_143 = arith.constant 0 : i32
          %dma_wait3A_144 = arith.constant 0 : i32
          %dma_wait3A_145 = tpu.memref_slice %arg11[%dma_wait3A_143, %dma_wait3A_144] : memref<10240x64xf32, #tpu.memory_space<vmem_shared>> -> memref<10240x64xf32, #tpu.memory_space<vmem_shared>>
          tpu.wait_indirect_dma semaphore(%arg17 : memref<!tpu.dma_semaphore, #tpu.memory_space<semaphore_mem>>) src(%arg10 : memref<128x64xf32, #tpu.memory_space<vmem>>) dst(%dma_wait3A_145 : memref<10240x64xf32, #tpu.memory_space<vmem_shared>>)
        } else {
        }
        %add3A_61 = arith.constant 3 : i32
        %add3A_62 = arith.addi %add3A_56, %add3A_61 : i32
        %sub3A = arith.constant 1 : i32
        %sub3A_63 = arith.subi %add3A_62, %sub3A : i32
        %lt3A = arith.constant 111 : i32
        %lt3A_64 = arith.cmpi slt, %sub3A_63, %lt3A : i32
        %convert_element_type3A_65 = arith.extui %lt3A_64 : i1 to i32
        %cond3A_66 = arith.constant 0 : i32
        %cond3A_67 = arith.cmpi ne, %convert_element_type3A_65, %cond3A_66 : i32
        scf.if %cond3A_67 {
          %add3A_140 = arith.constant 3 : i32
          %add3A_141 = arith.addi %add3A_56, %add3A_140 : i32
          %sub3A_142 = arith.constant 1 : i32
          %sub3A_143 = arith.subi %add3A_141, %sub3A_142 : i32
          %dma_start3A_144 = arith.constant 0 : i32
          %dma_start3A_145 = tpu.memref_slice %arg6[%sub3A_143, %dma_start3A_144] : memref<111x128xi32, #tpu.memory_space<vmem>> -> memref<1x128xi32, #tpu.memory_space<vmem>>
          %dma_start3A_146 = tpu.memref_squeeze %dma_start3A_145 : memref<1x128xi32, #tpu.memory_space<vmem>> -> memref<128xi32, #tpu.memory_space<vmem>>
          %dma_start3A_147 = arith.constant 0 : i32
          %dma_start3A_148 = arith.constant 0 : i32
          %dma_start3A_149 = tpu.memref_slice %arg2[%dma_start3A_147, %dma_start3A_148] : memref<10240x64xf32, #tpu.memory_space<hbm>> -> memref<10240x64xf32, #tpu.memory_space<hbm>>
          tpu.enqueue_indirect_dma source(%dma_start3A_149 : memref<10240x64xf32, #tpu.memory_space<hbm>>) target(%arg10 : memref<128x64xf32, #tpu.memory_space<vmem>>) offsets(%dma_start3A_146 : memref<128xi32, #tpu.memory_space<vmem>>) semaphore(%arg14 : memref<!tpu.dma_semaphore, #tpu.memory_space<semaphore_mem>>)
        } else {
        }
        %dma_wait3A_68 = arith.constant 0 : i32
        %dma_wait3A_69 = tpu.memref_slice %arg6[%add3A_56, %dma_wait3A_68] : memref<111x128xi32, #tpu.memory_space<vmem>> -> memref<1x128xi32, #tpu.memory_space<vmem>>
        %dma_wait3A_70 = tpu.memref_squeeze %dma_wait3A_69 : memref<1x128xi32, #tpu.memory_space<vmem>> -> memref<128xi32, #tpu.memory_space<vmem>>
        %dma_wait3A_71 = arith.constant 0 : i32
        %dma_wait3A_72 = arith.constant 0 : i32
        %dma_wait3A_73 = tpu.memref_slice %arg2[%dma_wait3A_71, %dma_wait3A_72] : memref<10240x64xf32, #tpu.memory_space<hbm>> -> memref<10240x64xf32, #tpu.memory_space<hbm>>
        tpu.wait_indirect_dma semaphore(%arg12 : memref<!tpu.dma_semaphore, #tpu.memory_space<semaphore_mem>>) src(%dma_wait3A_73 : memref<10240x64xf32, #tpu.memory_space<hbm>>) dst(%arg8 : memref<128x64xf32, #tpu.memory_space<vmem>>)
        %dma_start3A_74 = arith.constant 0 : i32
        %dma_start3A_75 = tpu.memref_slice %arg7[%add3A_56, %dma_start3A_74] : memref<111x128xi32, #tpu.memory_space<vmem>> -> memref<1x128xi32, #tpu.memory_space<vmem>>
        %dma_start3A_76 = tpu.memref_squeeze %dma_start3A_75 : memref<1x128xi32, #tpu.memory_space<vmem>> -> memref<128xi32, #tpu.memory_space<vmem>>
        %dma_start3A_77 = arith.constant 0 : i32
        %dma_start3A_78 = arith.constant 0 : i32
        %dma_start3A_79 = tpu.memref_slice %arg11[%dma_start3A_77, %dma_start3A_78] : memref<10240x64xf32, #tpu.memory_space<vmem_shared>> -> memref<10240x64xf32, #tpu.memory_space<vmem_shared>>
        tpu.enqueue_indirect_dma source(%arg8 : memref<128x64xf32, #tpu.memory_space<vmem>>) target(%dma_start3A_79 : memref<10240x64xf32, #tpu.memory_space<vmem_shared>>) offsets(%dma_start3A_76 : memref<128xi32, #tpu.memory_space<vmem>>) semaphore(%arg15 : memref<!tpu.dma_semaphore, #tpu.memory_space<semaphore_mem>>) {add = true}
        %mul3A_80 = arith.constant 3 : i32
        %mul3A_81 = arith.muli %mul3A_80, %scan3A_52 : i32
        %add3A_82 = arith.constant 1 : i32
        %add3A_83 = arith.addi %mul3A_81, %add3A_82 : i32
        %gt3A_84 = arith.constant 0 : i32
        %gt3A_85 = arith.cmpi sgt, %add3A_83, %gt3A_84 : i32
        %convert_element_type3A_86 = arith.extui %gt3A_85 : i1 to i32
        %cond3A_87 = arith.constant 0 : i32
        %cond3A_88 = arith.cmpi ne, %convert_element_type3A_86, %cond3A_87 : i32
        scf.if %cond3A_88 {
          %dma_wait3A_140 = arith.constant 0 : i32
          %dma_wait3A_141 = tpu.memref_slice %arg7[%add3A_83, %dma_wait3A_140] : memref<111x128xi32, #tpu.memory_space<vmem>> -> memref<1x128xi32, #tpu.memory_space<vmem>>
          %dma_wait3A_142 = tpu.memref_squeeze %dma_wait3A_141 : memref<1x128xi32, #tpu.memory_space<vmem>> -> memref<128xi32, #tpu.memory_space<vmem>>
          %dma_wait3A_143 = arith.constant 0 : i32
          %dma_wait3A_144 = arith.constant 0 : i32
          %dma_wait3A_145 = tpu.memref_slice %arg11[%dma_wait3A_143, %dma_wait3A_144] : memref<10240x64xf32, #tpu.memory_space<vmem_shared>> -> memref<10240x64xf32, #tpu.memory_space<vmem_shared>>
          tpu.wait_indirect_dma semaphore(%arg15 : memref<!tpu.dma_semaphore, #tpu.memory_space<semaphore_mem>>) src(%arg8 : memref<128x64xf32, #tpu.memory_space<vmem>>) dst(%dma_wait3A_145 : memref<10240x64xf32, #tpu.memory_space<vmem_shared>>)
        } else {
        }
        %add3A_89 = arith.constant 3 : i32
        %add3A_90 = arith.addi %add3A_83, %add3A_89 : i32
        %sub3A_91 = arith.constant 1 : i32
        %sub3A_92 = arith.subi %add3A_90, %sub3A_91 : i32
        %lt3A_93 = arith.constant 111 : i32
        %lt3A_94 = arith.cmpi slt, %sub3A_92, %lt3A_93 : i32
        %convert_element_type3A_95 = arith.extui %lt3A_94 : i1 to i32
        %cond3A_96 = arith.constant 0 : i32
        %cond3A_97 = arith.cmpi ne, %convert_element_type3A_95, %cond3A_96 : i32
        scf.if %cond3A_97 {
          %add3A_140 = arith.constant 3 : i32
          %add3A_141 = arith.addi %add3A_83, %add3A_140 : i32
          %sub3A_142 = arith.constant 1 : i32
          %sub3A_143 = arith.subi %add3A_141, %sub3A_142 : i32
          %dma_start3A_144 = arith.constant 0 : i32
          %dma_start3A_145 = tpu.memref_slice %arg6[%sub3A_143, %dma_start3A_144] : memref<111x128xi32, #tpu.memory_space<vmem>> -> memref<1x128xi32, #tpu.memory_space<vmem>>
          %dma_start3A_146 = tpu.memref_squeeze %dma_start3A_145 : memref<1x128xi32, #tpu.memory_space<vmem>> -> memref<128xi32, #tpu.memory_space<vmem>>
          %dma_start3A_147 = arith.constant 0 : i32
          %dma_start3A_148 = arith.constant 0 : i32
          %dma_start3A_149 = tpu.memref_slice %arg2[%dma_start3A_147, %dma_start3A_148] : memref<10240x64xf32, #tpu.memory_space<hbm>> -> memref<10240x64xf32, #tpu.memory_space<hbm>>
          tpu.enqueue_indirect_dma source(%dma_start3A_149 : memref<10240x64xf32, #tpu.memory_space<hbm>>) target(%arg8 : memref<128x64xf32, #tpu.memory_space<vmem>>) offsets(%dma_start3A_146 : memref<128xi32, #tpu.memory_space<vmem>>) semaphore(%arg12 : memref<!tpu.dma_semaphore, #tpu.memory_space<semaphore_mem>>)
        } else {
        }
        %dma_wait3A_98 = arith.constant 0 : i32
        %dma_wait3A_99 = tpu.memref_slice %arg6[%add3A_83, %dma_wait3A_98] : memref<111x128xi32, #tpu.memory_space<vmem>> -> memref<1x128xi32, #tpu.memory_space<vmem>>
        %dma_wait3A_100 = tpu.memref_squeeze %dma_wait3A_99 : memref<1x128xi32, #tpu.memory_space<vmem>> -> memref<128xi32, #tpu.memory_space<vmem>>
        %dma_wait3A_101 = arith.constant 0 : i32
        %dma_wait3A_102 = arith.constant 0 : i32
        %dma_wait3A_103 = tpu.memref_slice %arg2[%dma_wait3A_101, %dma_wait3A_102] : memref<10240x64xf32, #tpu.memory_space<hbm>> -> memref<10240x64xf32, #tpu.memory_space<hbm>>
        tpu.wait_indirect_dma semaphore(%arg13 : memref<!tpu.dma_semaphore, #tpu.memory_space<semaphore_mem>>) src(%dma_wait3A_103 : memref<10240x64xf32, #tpu.memory_space<hbm>>) dst(%arg9 : memref<128x64xf32, #tpu.memory_space<vmem>>)
        %dma_start3A_104 = arith.constant 0 : i32
        %dma_start3A_105 = tpu.memref_slice %arg7[%add3A_83, %dma_start3A_104] : memref<111x128xi32, #tpu.memory_space<vmem>> -> memref<1x128xi32, #tpu.memory_space<vmem>>
        %dma_start3A_106 = tpu.memref_squeeze %dma_start3A_105 : memref<1x128xi32, #tpu.memory_space<vmem>> -> memref<128xi32, #tpu.memory_space<vmem>>
        %dma_start3A_107 = arith.constant 0 : i32
        %dma_start3A_108 = arith.constant 0 : i32
        %dma_start3A_109 = tpu.memref_slice %arg11[%dma_start3A_107, %dma_start3A_108] : memref<10240x64xf32, #tpu.memory_space<vmem_shared>> -> memref<10240x64xf32, #tpu.memory_space<vmem_shared>>
        tpu.enqueue_indirect_dma source(%arg9 : memref<128x64xf32, #tpu.memory_space<vmem>>) target(%dma_start3A_109 : memref<10240x64xf32, #tpu.memory_space<vmem_shared>>) offsets(%dma_start3A_106 : memref<128xi32, #tpu.memory_space<vmem>>) semaphore(%arg16 : memref<!tpu.dma_semaphore, #tpu.memory_space<semaphore_mem>>) {add = true}
        %mul3A_110 = arith.constant 3 : i32
        %mul3A_111 = arith.muli %mul3A_110, %scan3A_52 : i32
        %add3A_112 = arith.constant 2 : i32
        %add3A_113 = arith.addi %mul3A_111, %add3A_112 : i32
        %gt3A_114 = arith.constant 0 : i32
        %gt3A_115 = arith.cmpi sgt, %add3A_113, %gt3A_114 : i32
        %convert_element_type3A_116 = arith.extui %gt3A_115 : i1 to i32
        %cond3A_117 = arith.constant 0 : i32
        %cond3A_118 = arith.cmpi ne, %convert_element_type3A_116, %cond3A_117 : i32
        scf.if %cond3A_118 {
          %dma_wait3A_140 = arith.constant 0 : i32
          %dma_wait3A_141 = tpu.memref_slice %arg7[%add3A_113, %dma_wait3A_140] : memref<111x128xi32, #tpu.memory_space<vmem>> -> memref<1x128xi32, #tpu.memory_space<vmem>>
          %dma_wait3A_142 = tpu.memref_squeeze %dma_wait3A_141 : memref<1x128xi32, #tpu.memory_space<vmem>> -> memref<128xi32, #tpu.memory_space<vmem>>
          %dma_wait3A_143 = arith.constant 0 : i32
          %dma_wait3A_144 = arith.constant 0 : i32
          %dma_wait3A_145 = tpu.memref_slice %arg11[%dma_wait3A_143, %dma_wait3A_144] : memref<10240x64xf32, #tpu.memory_space<vmem_shared>> -> memref<10240x64xf32, #tpu.memory_space<vmem_shared>>
          tpu.wait_indirect_dma semaphore(%arg16 : memref<!tpu.dma_semaphore, #tpu.memory_space<semaphore_mem>>) src(%arg9 : memref<128x64xf32, #tpu.memory_space<vmem>>) dst(%dma_wait3A_145 : memref<10240x64xf32, #tpu.memory_space<vmem_shared>>)
        } else {
        }
        %add3A_119 = arith.constant 3 : i32
        %add3A_120 = arith.addi %add3A_113, %add3A_119 : i32
        %sub3A_121 = arith.constant 1 : i32
        %sub3A_122 = arith.subi %add3A_120, %sub3A_121 : i32
        %lt3A_123 = arith.constant 111 : i32
        %lt3A_124 = arith.cmpi slt, %sub3A_122, %lt3A_123 : i32
        %convert_element_type3A_125 = arith.extui %lt3A_124 : i1 to i32
        %cond3A_126 = arith.constant 0 : i32
        %cond3A_127 = arith.cmpi ne, %convert_element_type3A_125, %cond3A_126 : i32
        scf.if %cond3A_127 {
          %add3A_140 = arith.constant 3 : i32
          %add3A_141 = arith.addi %add3A_113, %add3A_140 : i32
          %sub3A_142 = arith.constant 1 : i32
          %sub3A_143 = arith.subi %add3A_141, %sub3A_142 : i32
          %dma_start3A_144 = arith.constant 0 : i32
          %dma_start3A_145 = tpu.memref_slice %arg6[%sub3A_143, %dma_start3A_144] : memref<111x128xi32, #tpu.memory_space<vmem>> -> memref<1x128xi32, #tpu.memory_space<vmem>>
          %dma_start3A_146 = tpu.memref_squeeze %dma_start3A_145 : memref<1x128xi32, #tpu.memory_space<vmem>> -> memref<128xi32, #tpu.memory_space<vmem>>
          %dma_start3A_147 = arith.constant 0 : i32
          %dma_start3A_148 = arith.constant 0 : i32
          %dma_start3A_149 = tpu.memref_slice %arg2[%dma_start3A_147, %dma_start3A_148] : memref<10240x64xf32, #tpu.memory_space<hbm>> -> memref<10240x64xf32, #tpu.memory_space<hbm>>
          tpu.enqueue_indirect_dma source(%dma_start3A_149 : memref<10240x64xf32, #tpu.memory_space<hbm>>) target(%arg9 : memref<128x64xf32, #tpu.memory_space<vmem>>) offsets(%dma_start3A_146 : memref<128xi32, #tpu.memory_space<vmem>>) semaphore(%arg13 : memref<!tpu.dma_semaphore, #tpu.memory_space<semaphore_mem>>)
        } else {
        }
        %dma_wait3A_128 = arith.constant 0 : i32
        %dma_wait3A_129 = tpu.memref_slice %arg6[%add3A_113, %dma_wait3A_128] : memref<111x128xi32, #tpu.memory_space<vmem>> -> memref<1x128xi32, #tpu.memory_space<vmem>>
        %dma_wait3A_130 = tpu.memref_squeeze %dma_wait3A_129 : memref<1x128xi32, #tpu.memory_space<vmem>> -> memref<128xi32, #tpu.memory_space<vmem>>
        %dma_wait3A_131 = arith.constant 0 : i32
        %dma_wait3A_132 = arith.constant 0 : i32
        %dma_wait3A_133 = tpu.memref_slice %arg2[%dma_wait3A_131, %dma_wait3A_132] : memref<10240x64xf32, #tpu.memory_space<hbm>> -> memref<10240x64xf32, #tpu.memory_space<hbm>>
        tpu.wait_indirect_dma semaphore(%arg14 : memref<!tpu.dma_semaphore, #tpu.memory_space<semaphore_mem>>) src(%dma_wait3A_133 : memref<10240x64xf32, #tpu.memory_space<hbm>>) dst(%arg10 : memref<128x64xf32, #tpu.memory_space<vmem>>)
        %dma_start3A_134 = arith.constant 0 : i32
        %dma_start3A_135 = tpu.memref_slice %arg7[%add3A_113, %dma_start3A_134] : memref<111x128xi32, #tpu.memory_space<vmem>> -> memref<1x128xi32, #tpu.memory_space<vmem>>
        %dma_start3A_136 = tpu.memref_squeeze %dma_start3A_135 : memref<1x128xi32, #tpu.memory_space<vmem>> -> memref<128xi32, #tpu.memory_space<vmem>>
        %dma_start3A_137 = arith.constant 0 : i32
        %dma_start3A_138 = arith.constant 0 : i32
        %dma_start3A_139 = tpu.memref_slice %arg11[%dma_start3A_137, %dma_start3A_138] : memref<10240x64xf32, #tpu.memory_space<vmem_shared>> -> memref<10240x64xf32, #tpu.memory_space<vmem_shared>>
        tpu.enqueue_indirect_dma source(%arg10 : memref<128x64xf32, #tpu.memory_space<vmem>>) target(%dma_start3A_139 : memref<10240x64xf32, #tpu.memory_space<vmem_shared>>) offsets(%dma_start3A_136 : memref<128xi32, #tpu.memory_space<vmem>>) semaphore(%arg17 : memref<!tpu.dma_semaphore, #tpu.memory_space<semaphore_mem>>) {add = true}
      }
      %scan3A_45 = arith.constant 37 : i32
      %dma_wait3A = arith.constant 0 : i32
      %dma_wait3A_46 = arith.constant 0 : i32
      %dma_wait3A_47 = tpu.memref_slice %arg7[%dma_wait3A, %dma_wait3A_46] : memref<111x128xi32, #tpu.memory_space<vmem>> -> memref<1x128xi32, #tpu.memory_space<vmem>>
      %dma_wait3A_48 = tpu.memref_squeeze %dma_wait3A_47 : memref<1x128xi32, #tpu.memory_space<vmem>> -> memref<128xi32, #tpu.memory_space<vmem>>
      %dma_wait3A_49 = arith.constant 0 : i32
      %dma_wait3A_50 = arith.constant 0 : i32
      %dma_wait3A_51 = tpu.memref_slice %arg11[%dma_wait3A_49, %dma_wait3A_50] : memref<10240x64xf32, #tpu.memory_space<vmem_shared>> -> memref<10240x64xf32, #tpu.memory_space<vmem_shared>>
      tpu.wait_indirect_dma semaphore(%arg17 : memref<!tpu.dma_semaphore, #tpu.memory_space<semaphore_mem>>) src(%arg10 : memref<128x64xf32, #tpu.memory_space<vmem>>) dst(%dma_wait3A_51 : memref<10240x64xf32, #tpu.memory_space<vmem_shared>>)
    } else {
    }
    %eq3A_18 = arith.constant 1 : i32
    %eq3A_19 = arith.cmpi eq, %arg0, %eq3A_18 : i32
    %convert_element_type3A_20 = arith.extui %eq3A_19 : i1 to i32
    %cond3A_21 = arith.constant 0 : i32
    %cond3A_22 = arith.cmpi ne, %convert_element_type3A_20, %cond3A_21 : i32
    scf.if %cond3A_22 {
      %lt3A = arith.constant 4 : i32
      %lt3A_28 = arith.cmpi slt, %arg1, %lt3A : i32
      %convert_element_type3A_29 = arith.extui %lt3A_28 : i1 to i32
      %cond3A_30 = arith.constant 0 : i32
      %cond3A_31 = arith.cmpi ne, %convert_element_type3A_29, %cond3A_30 : i32
      scf.if %cond3A_31 {
        %scan3A = arith.constant 0 : i32
        %scan3A_36 = arith.constant 0 : i32
        %scan3A_37 = arith.constant 46 : i32
        %scan3A_38 = arith.addi %scan3A_36, %scan3A_37 : i32
        %scan3A_39 = arith.constant 1 : i32
        scf.for %scan3A_41 = %scan3A_36 to %scan3A_38 step %scan3A_39  : i32 {
          %dma_start3A = arith.constant 0 : i32
          %dma_start3A_42 = tpu.memref_slice %arg6[%scan3A_41, %dma_start3A] : memref<111x128xi32, #tpu.memory_space<vmem>> -> memref<1x128xi32, #tpu.memory_space<vmem>>
          %dma_start3A_43 = tpu.memref_squeeze %dma_start3A_42 : memref<1x128xi32, #tpu.memory_space<vmem>> -> memref<128xi32, #tpu.memory_space<vmem>>
          %dma_start3A_44 = arith.constant 0 : i32
          %dma_start3A_45 = arith.constant 0 : i32
          %dma_start3A_46 = tpu.memref_slice %arg2[%dma_start3A_44, %dma_start3A_45] : memref<10240x64xf32, #tpu.memory_space<hbm>> -> memref<10240x64xf32, #tpu.memory_space<hbm>>
          tpu.enqueue_indirect_dma source(%dma_start3A_46 : memref<10240x64xf32, #tpu.memory_space<hbm>>) target(%arg8 : memref<128x64xf32, #tpu.memory_space<vmem>>) offsets(%dma_start3A_43 : memref<128xi32, #tpu.memory_space<vmem>>) semaphore(%arg12 : memref<!tpu.dma_semaphore, #tpu.memory_space<semaphore_mem>>)
          %dma_wait3A = arith.constant 0 : i32
          %dma_wait3A_47 = tpu.memref_slice %arg6[%scan3A_41, %dma_wait3A] : memref<111x128xi32, #tpu.memory_space<vmem>> -> memref<1x128xi32, #tpu.memory_space<vmem>>
          %dma_wait3A_48 = tpu.memref_squeeze %dma_wait3A_47 : memref<1x128xi32, #tpu.memory_space<vmem>> -> memref<128xi32, #tpu.memory_space<vmem>>
          %dma_wait3A_49 = arith.constant 0 : i32
          %dma_wait3A_50 = arith.constant 0 : i32
          %dma_wait3A_51 = tpu.memref_slice %arg2[%dma_wait3A_49, %dma_wait3A_50] : memref<10240x64xf32, #tpu.memory_space<hbm>> -> memref<10240x64xf32, #tpu.memory_space<hbm>>
          tpu.wait_indirect_dma semaphore(%arg12 : memref<!tpu.dma_semaphore, #tpu.memory_space<semaphore_mem>>) src(%dma_wait3A_51 : memref<10240x64xf32, #tpu.memory_space<hbm>>) dst(%arg8 : memref<128x64xf32, #tpu.memory_space<vmem>>)
          "tpu.region"() ({
            %run_scoped3A_52 = tpu.sem_alloc : memref<!tpu.dma_semaphore, #tpu.memory_space<semaphore_mem>>
            %dma_start3A_53 = arith.constant 0 : i32
            %dma_start3A_54 = tpu.memref_slice %arg7[%scan3A_41, %dma_start3A_53] : memref<111x128xi32, #tpu.memory_space<vmem>> -> memref<1x128xi32, #tpu.memory_space<vmem>>
            %dma_start3A_55 = tpu.memref_squeeze %dma_start3A_54 : memref<1x128xi32, #tpu.memory_space<vmem>> -> memref<128xi32, #tpu.memory_space<vmem>>
            %dma_start3A_56 = arith.constant 0 : i32
            %dma_start3A_57 = arith.constant 0 : i32
            %dma_start3A_58 = tpu.memref_slice %arg11[%dma_start3A_56, %dma_start3A_57] : memref<10240x64xf32, #tpu.memory_space<vmem_shared>> -> memref<10240x64xf32, #tpu.memory_space<vmem_shared>>
            tpu.enqueue_indirect_dma source(%arg8 : memref<128x64xf32, #tpu.memory_space<vmem>>) target(%dma_start3A_58 : memref<10240x64xf32, #tpu.memory_space<vmem_shared>>) offsets(%dma_start3A_55 : memref<128xi32, #tpu.memory_space<vmem>>) semaphore(%run_scoped3A_52 : memref<!tpu.dma_semaphore, #tpu.memory_space<semaphore_mem>>) {add = true}
            %dma_wait3A_59 = arith.constant 0 : i32
            %dma_wait3A_60 = tpu.memref_slice %arg7[%scan3A_41, %dma_wait3A_59] : memref<111x128xi32, #tpu.memory_space<vmem>> -> memref<1x128xi32, #tpu.memory_space<vmem>>
            %dma_wait3A_61 = tpu.memref_squeeze %dma_wait3A_60 : memref<1x128xi32, #tpu.memory_space<vmem>> -> memref<128xi32, #tpu.memory_space<vmem>>
            %dma_wait3A_62 = arith.constant 0 : i32
            %dma_wait3A_63 = arith.constant 0 : i32
            %dma_wait3A_64 = tpu.memref_slice %arg11[%dma_wait3A_62, %dma_wait3A_63] : memref<10240x64xf32, #tpu.memory_space<vmem_shared>> -> memref<10240x64xf32, #tpu.memory_space<vmem_shared>>
            tpu.wait_indirect_dma semaphore(%run_scoped3A_52 : memref<!tpu.dma_semaphore, #tpu.memory_space<semaphore_mem>>) src(%arg8 : memref<128x64xf32, #tpu.memory_space<vmem>>) dst(%dma_wait3A_64 : memref<10240x64xf32, #tpu.memory_space<vmem_shared>>)
            tpu.yield
          }) : () -> ()
        }
        %scan3A_40 = arith.constant 46 : i32
      } else {
      }
      %ge3A = arith.constant 4 : i32
      %ge3A_32 = arith.cmpi sge, %arg1, %ge3A : i32
      %convert_element_type3A_33 = arith.extui %ge3A_32 : i1 to i32
      %cond3A_34 = arith.constant 0 : i32
      %cond3A_35 = arith.cmpi ne, %convert_element_type3A_33, %cond3A_34 : i32
      scf.if %cond3A_35 {
        %scan3A = arith.constant 0 : i32
        %scan3A_36 = arith.constant 0 : i32
        %scan3A_37 = arith.constant 45 : i32
        %scan3A_38 = arith.addi %scan3A_36, %scan3A_37 : i32
        %scan3A_39 = arith.constant 1 : i32
        scf.for %scan3A_41 = %scan3A_36 to %scan3A_38 step %scan3A_39  : i32 {
          %dma_start3A = arith.constant 0 : i32
          %dma_start3A_42 = tpu.memref_slice %arg6[%scan3A_41, %dma_start3A] : memref<111x128xi32, #tpu.memory_space<vmem>> -> memref<1x128xi32, #tpu.memory_space<vmem>>
          %dma_start3A_43 = tpu.memref_squeeze %dma_start3A_42 : memref<1x128xi32, #tpu.memory_space<vmem>> -> memref<128xi32, #tpu.memory_space<vmem>>
          %dma_start3A_44 = arith.constant 0 : i32
          %dma_start3A_45 = arith.constant 0 : i32
          %dma_start3A_46 = tpu.memref_slice %arg2[%dma_start3A_44, %dma_start3A_45] : memref<10240x64xf32, #tpu.memory_space<hbm>> -> memref<10240x64xf32, #tpu.memory_space<hbm>>
          tpu.enqueue_indirect_dma source(%dma_start3A_46 : memref<10240x64xf32, #tpu.memory_space<hbm>>) target(%arg8 : memref<128x64xf32, #tpu.memory_space<vmem>>) offsets(%dma_start3A_43 : memref<128xi32, #tpu.memory_space<vmem>>) semaphore(%arg12 : memref<!tpu.dma_semaphore, #tpu.memory_space<semaphore_mem>>)
          %dma_wait3A = arith.constant 0 : i32
          %dma_wait3A_47 = tpu.memref_slice %arg6[%scan3A_41, %dma_wait3A] : memref<111x128xi32, #tpu.memory_space<vmem>> -> memref<1x128xi32, #tpu.memory_space<vmem>>
          %dma_wait3A_48 = tpu.memref_squeeze %dma_wait3A_47 : memref<1x128xi32, #tpu.memory_space<vmem>> -> memref<128xi32, #tpu.memory_space<vmem>>
          %dma_wait3A_49 = arith.constant 0 : i32
          %dma_wait3A_50 = arith.constant 0 : i32
          %dma_wait3A_51 = tpu.memref_slice %arg2[%dma_wait3A_49, %dma_wait3A_50] : memref<10240x64xf32, #tpu.memory_space<hbm>> -> memref<10240x64xf32, #tpu.memory_space<hbm>>
          tpu.wait_indirect_dma semaphore(%arg12 : memref<!tpu.dma_semaphore, #tpu.memory_space<semaphore_mem>>) src(%dma_wait3A_51 : memref<10240x64xf32, #tpu.memory_space<hbm>>) dst(%arg8 : memref<128x64xf32, #tpu.memory_space<vmem>>)
          "tpu.region"() ({
            %run_scoped3A_52 = tpu.sem_alloc : memref<!tpu.dma_semaphore, #tpu.memory_space<semaphore_mem>>
            %dma_start3A_53 = arith.constant 0 : i32
            %dma_start3A_54 = tpu.memref_slice %arg7[%scan3A_41, %dma_start3A_53] : memref<111x128xi32, #tpu.memory_space<vmem>> -> memref<1x128xi32, #tpu.memory_space<vmem>>
            %dma_start3A_55 = tpu.memref_squeeze %dma_start3A_54 : memref<1x128xi32, #tpu.memory_space<vmem>> -> memref<128xi32, #tpu.memory_space<vmem>>
            %dma_start3A_56 = arith.constant 0 : i32
            %dma_start3A_57 = arith.constant 0 : i32
            %dma_start3A_58 = tpu.memref_slice %arg11[%dma_start3A_56, %dma_start3A_57] : memref<10240x64xf32, #tpu.memory_space<vmem_shared>> -> memref<10240x64xf32, #tpu.memory_space<vmem_shared>>
            tpu.enqueue_indirect_dma source(%arg8 : memref<128x64xf32, #tpu.memory_space<vmem>>) target(%dma_start3A_58 : memref<10240x64xf32, #tpu.memory_space<vmem_shared>>) offsets(%dma_start3A_55 : memref<128xi32, #tpu.memory_space<vmem>>) semaphore(%run_scoped3A_52 : memref<!tpu.dma_semaphore, #tpu.memory_space<semaphore_mem>>) {add = true}
            %dma_wait3A_59 = arith.constant 0 : i32
            %dma_wait3A_60 = tpu.memref_slice %arg7[%scan3A_41, %dma_wait3A_59] : memref<111x128xi32, #tpu.memory_space<vmem>> -> memref<1x128xi32, #tpu.memory_space<vmem>>
            %dma_wait3A_61 = tpu.memref_squeeze %dma_wait3A_60 : memref<1x128xi32, #tpu.memory_space<vmem>> -> memref<128xi32, #tpu.memory_space<vmem>>
            %dma_wait3A_62 = arith.constant 0 : i32
            %dma_wait3A_63 = arith.constant 0 : i32
            %dma_wait3A_64 = tpu.memref_slice %arg11[%dma_wait3A_62, %dma_wait3A_63] : memref<10240x64xf32, #tpu.memory_space<vmem_shared>> -> memref<10240x64xf32, #tpu.memory_space<vmem_shared>>
            tpu.wait_indirect_dma semaphore(%run_scoped3A_52 : memref<!tpu.dma_semaphore, #tpu.memory_space<semaphore_mem>>) src(%arg8 : memref<128x64xf32, #tpu.memory_space<vmem>>) dst(%dma_wait3A_64 : memref<10240x64xf32, #tpu.memory_space<vmem_shared>>)
            tpu.yield
          }) : () -> ()
        }
        %scan3A_40 = arith.constant 45 : i32
      } else {
      }
    } else {
    }
    %barrier3A_23 = arith.constant 0 : index
    tpu.barrier barrier_id(%barrier3A_23)
    %mul3A_24 = arith.constant 640 : i32
    %mul3A_25 = arith.muli %arg1, %mul3A_24 : i32
    %mul3A_26 = arith.constant 640 : i32
    %mul3A_27 = arith.muli %arg1, %mul3A_26 : i32
    "tpu.region"() ({
      %run_scoped3A_28 = tpu.sem_alloc : memref<!tpu.dma_semaphore, #tpu.memory_space<semaphore_mem>>
      %dma_start3A = arith.constant 0 : i32
      %dma_start3A_29 = tpu.memref_slice %arg5[%arg0, %mul3A_27, %dma_start3A] : memref<2x10240x64xf32, #tpu.memory_space<hbm>> -> memref<1x640x64xf32, #tpu.memory_space<hbm>>
      %dma_start3A_30 = tpu.memref_squeeze %dma_start3A_29 : memref<1x640x64xf32, #tpu.memory_space<hbm>> -> memref<640x64xf32, #tpu.memory_space<hbm>>
      %dma_start3A_31 = arith.constant 0 : i32
      %dma_start3A_32 = tpu.memref_slice %arg11[%mul3A_25, %dma_start3A_31] : memref<10240x64xf32, #tpu.memory_space<vmem_shared>> -> memref<640x64xf32, #tpu.memory_space<vmem_shared>>
      tpu.enqueue_dma source(%dma_start3A_32 : memref<640x64xf32, #tpu.memory_space<vmem_shared>>) target(%dma_start3A_30 : memref<640x64xf32, #tpu.memory_space<hbm>>) target_semaphore(%run_scoped3A_28 : memref<!tpu.dma_semaphore, #tpu.memory_space<semaphore_mem>>)
      %dma_wait3A = arith.constant 0 : i32
      %dma_wait3A_33 = tpu.memref_slice %arg5[%arg0, %mul3A_27, %dma_wait3A] : memref<2x10240x64xf32, #tpu.memory_space<hbm>> -> memref<1x640x64xf32, #tpu.memory_space<hbm>>
      %dma_wait3A_34 = tpu.memref_squeeze %dma_wait3A_33 : memref<1x640x64xf32, #tpu.memory_space<hbm>> -> memref<640x64xf32, #tpu.memory_space<hbm>>
      %dma_wait3A_35 = arith.constant 0 : i32
      %dma_wait3A_36 = tpu.memref_slice %arg11[%mul3A_25, %dma_wait3A_35] : memref<10240x64xf32, #tpu.memory_space<vmem_shared>> -> memref<640x64xf32, #tpu.memory_space<vmem_shared>>
      tpu.wait_dma2 semaphore(%run_scoped3A_28 : memref<!tpu.dma_semaphore, #tpu.memory_space<semaphore_mem>>) src(%dma_wait3A_36 : memref<640x64xf32, #tpu.memory_space<vmem_shared>>) dst(%dma_wait3A_34 : memref<640x64xf32, #tpu.memory_space<hbm>>)
      tpu.yield
    }) : () -> ()
    return
  }
}

module attributes {stable_mosaic.version = 14 : i64} {
  func.func @body(%arg0: i32, %arg1: memref<32x1280xf32, #tpu.memory_space<vmem>>, %arg2: memref<1280x128xf32, #tpu.memory_space<vmem>>, %arg3: memref<128x128xf32, #tpu.memory_space<vmem>>, %arg4: memref<1280x1xf32, #tpu.memory_space<vmem>>, %arg5: memref<1280x128xf32, #tpu.memory_space<vmem>>) attributes {dimension_semantics = [#tpu.dimension_semantics<arbitrary>], iteration_bounds = array<i64: 8>, scalar_prefetch = 0 : i64, scratch_operands = 0 : i64, tpu.core_type = #tpu.core_type<tc>, window_params = [{transform_indices = @transform_0, window_bounds = array<i64: 32, 1280>}, {transform_indices = @transform_1, window_bounds = array<i64: 1280, 128>}, {pipeline_mode = #tpu.pipeline_mode<synchronous>, transform_indices = @transform_2, window_bounds = array<i64: 128, 128>}, {transform_indices = @transform_3, window_bounds = array<i64: 1280, 1>}, {transform_indices = @transform_4, window_bounds = array<i64: 1280, 128>}]} {
    %get3A = arith.constant 0 : index
    %get3A_0 = arith.constant 0 : index
    %get3A_1 = vector.load %arg1[%get3A, %get3A_0] : memref<32x1280xf32, #tpu.memory_space<vmem>>, vector<32x1280xf32>
    %reduce_sum3A = arith.constant dense<0.000000e+00> : vector<1280xf32>
    %reduce_sum3A_2 = vector.multi_reduction <add>, %get3A_1, %reduce_sum3A [0] : vector<32x1280xf32> to vector<1280xf32>
    %add3A = arith.constant 1.000000e+00 : f32
    %add3A_3 = vector.broadcast %add3A : f32 to vector<1280xf32>
    %add3A_4 = arith.addf %reduce_sum3A_2, %add3A_3 : vector<1280xf32>
    %rsqrt3A = math.rsqrt %add3A_4 : vector<1280xf32>
    %broadcast_in_dim3A = vector.shape_cast %rsqrt3A : vector<1280xf32> to vector<1280x1xf32>
    %swap3A = arith.constant 0 : index
    %swap3A_5 = arith.constant 0 : index
    %swap3A_6 = vector.load %arg4[%swap3A, %swap3A_5] : memref<1280x1xf32, #tpu.memory_space<vmem>>, vector<1280x1xf32>
    tpu.vector_store %arg4[%swap3A, %swap3A_5], %broadcast_in_dim3A {strides = array<i32>} : memref<1280x1xf32, #tpu.memory_space<vmem>>, vector<1280x1xf32>,
    %get3A_7 = arith.constant 0 : index
    %get3A_8 = arith.constant 0 : index
    %get3A_9 = vector.load %arg2[%get3A_7, %get3A_8] : memref<1280x128xf32, #tpu.memory_space<vmem>>, vector<1280x128xf32>
    %get3A_10 = arith.constant 0 : index
    %get3A_11 = arith.constant 0 : index
    %get3A_12 = vector.load %arg3[%get3A_10, %get3A_11] : memref<128x128xf32, #tpu.memory_space<vmem>>, vector<128x128xf32>
    %dot_general3A = arith.constant dense<0.000000e+00> : vector<1280x128xf32>
    %dot_general3A_13 = tpu.matmul %get3A_9, %get3A_12, %dot_general3A {dimension_numbers = #tpu.dot_dimension_numbers<[1], [0], [0], [1], [0, 0, 1, 1], [], []>, transpose_lhs_hint = false} : vector<1280x128xf32>, vector<128x128xf32>, vector<1280x128xf32> -> vector<1280x128xf32>
    %mul3A = vector.broadcast %broadcast_in_dim3A : vector<1280x1xf32> to vector<1280x128xf32>
    %mul3A_14 = arith.mulf %dot_general3A_13, %mul3A : vector<1280x128xf32>
    %swap3A_15 = arith.constant 0 : index
    %swap3A_16 = arith.constant 0 : index
    %swap3A_17 = vector.load %arg5[%swap3A_15, %swap3A_16] : memref<1280x128xf32, #tpu.memory_space<vmem>>, vector<1280x128xf32>
    tpu.vector_store %arg5[%swap3A_15, %swap3A_16], %mul3A_14 {strides = array<i32>} : memref<1280x128xf32, #tpu.memory_space<vmem>>, vector<1280x128xf32>,
    return
  }
  func.func @transform_0(%arg0: i32) -> (i32, i32) {
    %c0_i32 = arith.constant 0 : i32
    %c0_i32_0 = arith.constant 0 : i32
    return %c0_i32, %arg0 : i32, i32
  }
  func.func @transform_1(%arg0: i32) -> (i32, i32) {
    %c0_i32 = arith.constant 0 : i32
    %c0_i32_0 = arith.constant 0 : i32
    return %arg0, %c0_i32 : i32, i32
  }
  func.func @transform_2(%arg0: i32) -> (i32, i32) {
    %c0_i32 = arith.constant 0 : i32
    %c0_i32_0 = arith.constant 0 : i32
    %c0_i32_1 = arith.constant 0 : i32
    return %c0_i32, %c0_i32_0 : i32, i32
  }
  func.func @transform_3(%arg0: i32) -> (i32, i32) {
    %c0_i32 = arith.constant 0 : i32
    %c0_i32_0 = arith.constant 0 : i32
    return %arg0, %c0_i32 : i32, i32
  }
  func.func @transform_4(%arg0: i32) -> (i32, i32) {
    %c0_i32 = arith.constant 0 : i32
    %c0_i32_0 = arith.constant 0 : i32
    return %arg0, %c0_i32 : i32, i32
  }
}

module attributes {stable_mosaic.version = 14 : i64} {
  func.func @body(%arg0: i32, %arg1: memref<2x1280x128xf32, #tpu.memory_space<vmem>>, %arg2: memref<1280x128xf32, #tpu.memory_space<vmem>>, %arg3: memref<1280x1xf32, #tpu.memory_space<vmem>>, %arg4: memref<1280x128xf32, #tpu.memory_space<vmem>>, %arg5: memref<128x128xf32, #tpu.memory_space<vmem>>, %arg6: memref<1x128xf32, #tpu.memory_space<vmem>>, %arg7: memref<1x128xf32, #tpu.memory_space<vmem>>, %arg8: memref<128x64xf32, #tpu.memory_space<vmem>>, %arg9: memref<128x64xf32, #tpu.memory_space<vmem>>, %arg10: memref<1x64xf32, #tpu.memory_space<vmem>>, %arg11: memref<1x64xf32, #tpu.memory_space<vmem>>, %arg12: memref<1x2xf32, #tpu.memory_space<vmem>>, %arg13: memref<1280x64xf32, #tpu.memory_space<vmem>>, %arg14: memref<1280x64xf32, #tpu.memory_space<vmem>>) attributes {dimension_semantics = [#tpu.dimension_semantics<arbitrary>], iteration_bounds = array<i64: 8>, scalar_prefetch = 0 : i64, scratch_operands = 0 : i64, tpu.core_type = #tpu.core_type<tc>, window_params = [{transform_indices = @transform_0, window_bounds = array<i64: 2, 1280, 128>}, {transform_indices = @transform_1, window_bounds = array<i64: 1280, 128>}, {transform_indices = @transform_2, window_bounds = array<i64: 1280, 1>}, {transform_indices = @transform_3, window_bounds = array<i64: 1280, 128>}, {pipeline_mode = #tpu.pipeline_mode<synchronous>, transform_indices = @transform_4, window_bounds = array<i64: 128, 128>}, {pipeline_mode = #tpu.pipeline_mode<synchronous>, transform_indices = @transform_5, window_bounds = array<i64: 1, 128>}, {pipeline_mode = #tpu.pipeline_mode<synchronous>, transform_indices = @transform_6, window_bounds = array<i64: 1, 128>}, {pipeline_mode = #tpu.pipeline_mode<synchronous>, transform_indices = @transform_7, window_bounds = array<i64: 128, 64>}, {pipeline_mode = #tpu.pipeline_mode<synchronous>, transform_indices = @transform_8, window_bounds = array<i64: 128, 64>}, {pipeline_mode = #tpu.pipeline_mode<synchronous>, transform_indices = @transform_9, window_bounds = array<i64: 1, 64>}, {pipeline_mode = #tpu.pipeline_mode<synchronous>, transform_indices = @transform_10, window_bounds = array<i64: 1, 64>}, {pipeline_mode = #tpu.pipeline_mode<synchronous>, transform_indices = @transform_11, window_bounds = array<i64: 1, 2>}, {transform_indices = @transform_12, window_bounds = array<i64: 1280, 64>}, {transform_indices = @transform_13, window_bounds = array<i64: 1280, 64>}]} {
    %get3A = arith.constant 0 : index
    %get3A_0 = arith.constant 0 : index
    %get3A_1 = vector.load %arg3[%get3A, %get3A_0] : memref<1280x1xf32, #tpu.memory_space<vmem>>, vector<1280x1xf32>
    %get3A_2 = arith.constant 0 : index
    %get3A_3 = arith.constant 0 : index
    %get3A_4 = arith.constant 0 : index
    %get3A_5 = vector.load %arg1[%get3A_2, %get3A_3, %get3A_4] : memref<2x1280x128xf32, #tpu.memory_space<vmem>>, vector<1x1280x128xf32>
    %get3A_6 = vector.shape_cast %get3A_5 : vector<1x1280x128xf32> to vector<1280x128xf32>
    %get3A_7 = arith.constant 1 : index
    %get3A_8 = arith.constant 0 : index
    %get3A_9 = arith.constant 0 : index
    %get3A_10 = vector.load %arg1[%get3A_7, %get3A_8, %get3A_9] : memref<2x1280x128xf32, #tpu.memory_space<vmem>>, vector<1x1280x128xf32>
    %get3A_11 = vector.shape_cast %get3A_10 : vector<1x1280x128xf32> to vector<1280x128xf32>
    %add3A = arith.addf %get3A_6, %get3A_11 : vector<1280x128xf32>
    %get3A_12 = arith.constant 0 : index
    %get3A_13 = arith.constant 0 : index
    %get3A_14 = vector.load %arg2[%get3A_12, %get3A_13] : memref<1280x128xf32, #tpu.memory_space<vmem>>, vector<1280x128xf32>
    %add3A_15 = arith.addf %add3A, %get3A_14 : vector<1280x128xf32>
    %mul3A = vector.broadcast %get3A_1 : vector<1280x1xf32> to vector<1280x128xf32>
    %mul3A_16 = arith.mulf %mul3A, %add3A_15 : vector<1280x128xf32>
    %get3A_17 = arith.constant 0 : index
    %get3A_18 = arith.constant 0 : index
    %get3A_19 = vector.load %arg7[%get3A_17, %get3A_18] : memref<1x128xf32, #tpu.memory_space<vmem>>, vector<1x128xf32>
    %add3A_20 = vector.broadcast %get3A_19 : vector<1x128xf32> to vector<1280x128xf32>
    %add3A_21 = arith.addf %mul3A_16, %add3A_20 : vector<1280x128xf32>
    %get3A_22 = arith.constant 0 : index
    %get3A_23 = arith.constant 0 : index
    %get3A_24 = vector.load %arg12[%get3A_22, %get3A_23] : memref<1x2xf32, #tpu.memory_space<vmem>>, vector<1x1xf32>
    %get3A_25 = vector.extract %get3A_24[0, 0] : f32 from vector<1x1xf32>
    %logistic3A = arith.negf %get3A_25 : f32
    %logistic3A_26 = math.exp %logistic3A : f32
    %logistic3A_27 = arith.constant 1.000000e+00 : f32
    %logistic3A_28 = arith.addf %logistic3A_27, %logistic3A_26 : f32
    %logistic3A_29 = arith.divf %logistic3A_27, %logistic3A_28 : f32
    %get3A_30 = arith.constant 0 : index
    %get3A_31 = arith.constant 1 : index
    %get3A_32 = vector.load %arg12[%get3A_30, %get3A_31] : memref<1x2xf32, #tpu.memory_space<vmem>>, vector<1x1xf32>
    %get3A_33 = vector.extract %get3A_32[0, 0] : f32 from vector<1x1xf32>
    %logistic3A_34 = arith.negf %get3A_33 : f32
    %logistic3A_35 = math.exp %logistic3A_34 : f32
    %logistic3A_36 = arith.constant 1.000000e+00 : f32
    %logistic3A_37 = arith.addf %logistic3A_36, %logistic3A_35 : f32
    %logistic3A_38 = arith.divf %logistic3A_36, %logistic3A_37 : f32
    %max3A = arith.constant 0.000000e+00 : f32
    %max3A_39 = vector.broadcast %max3A : f32 to vector<1280x128xf32>
    %max3A_40 = arith.maximumf %add3A_21, %max3A_39 : vector<1280x128xf32>
    %get3A_41 = arith.constant 0 : index
    %get3A_42 = arith.constant 0 : index
    %get3A_43 = vector.load %arg4[%get3A_41, %get3A_42] : memref<1280x128xf32, #tpu.memory_space<vmem>>, vector<1280x128xf32>
    %get3A_44 = arith.constant 0 : index
    %get3A_45 = arith.constant 0 : index
    %get3A_46 = vector.load %arg5[%get3A_44, %get3A_45] : memref<128x128xf32, #tpu.memory_space<vmem>>, vector<128x128xf32>
    %dot_general3A = arith.constant dense<0.000000e+00> : vector<1280x128xf32>
    %dot_general3A_47 = tpu.matmul %get3A_43, %get3A_46, %dot_general3A {dimension_numbers = #tpu.dot_dimension_numbers<[1], [0], [0], [1], [0, 0, 1, 1], [], []>, transpose_lhs_hint = false} : vector<1280x128xf32>, vector<128x128xf32>, vector<1280x128xf32> -> vector<1280x128xf32>
    %get3A_48 = arith.constant 0 : index
    %get3A_49 = arith.constant 0 : index
    %get3A_50 = vector.load %arg6[%get3A_48, %get3A_49] : memref<1x128xf32, #tpu.memory_space<vmem>>, vector<1x128xf32>
    %add3A_51 = vector.broadcast %get3A_50 : vector<1x128xf32> to vector<1280x128xf32>
    %add3A_52 = arith.addf %dot_general3A_47, %add3A_51 : vector<1280x128xf32>
    %mul3A_53 = vector.broadcast %logistic3A_29 : f32 to vector<1280x128xf32>
    %mul3A_54 = arith.mulf %mul3A_53, %add3A_52 : vector<1280x128xf32>
    %add3A_55 = arith.addf %max3A_40, %mul3A_54 : vector<1280x128xf32>
    %get3A_56 = arith.constant 0 : index
    %get3A_57 = arith.constant 0 : index
    %get3A_58 = vector.load %arg8[%get3A_56, %get3A_57] : memref<128x64xf32, #tpu.memory_space<vmem>>, vector<128x64xf32>
    %dot_general3A_59 = arith.constant dense<0.000000e+00> : vector<1280x64xf32>
    %dot_general3A_60 = tpu.matmul %add3A_55, %get3A_58, %dot_general3A_59 {dimension_numbers = #tpu.dot_dimension_numbers<[1], [0], [0], [1], [0, 0, 1, 1], [], []>, transpose_lhs_hint = false} : vector<1280x128xf32>, vector<128x64xf32>, vector<1280x64xf32> -> vector<1280x64xf32>
    %mul3A_61 = vector.broadcast %get3A_1 : vector<1280x1xf32> to vector<1280x64xf32>
    %mul3A_62 = arith.mulf %dot_general3A_60, %mul3A_61 : vector<1280x64xf32>
    %swap3A = arith.constant 0 : index
    %swap3A_63 = arith.constant 0 : index
    %swap3A_64 = vector.load %arg13[%swap3A, %swap3A_63] : memref<1280x64xf32, #tpu.memory_space<vmem>>, vector<1280x64xf32>
    tpu.vector_store %arg13[%swap3A, %swap3A_63], %mul3A_62 {strides = array<i32>} : memref<1280x64xf32, #tpu.memory_space<vmem>>, vector<1280x64xf32>,
    %get3A_65 = arith.constant 0 : index
    %get3A_66 = arith.constant 0 : index
    %get3A_67 = vector.load %arg9[%get3A_65, %get3A_66] : memref<128x64xf32, #tpu.memory_space<vmem>>, vector<128x64xf32>
    %dot_general3A_68 = arith.constant dense<0.000000e+00> : vector<1280x64xf32>
    %dot_general3A_69 = tpu.matmul %add3A_55, %get3A_67, %dot_general3A_68 {dimension_numbers = #tpu.dot_dimension_numbers<[1], [0], [0], [1], [0, 0, 1, 1], [], []>, transpose_lhs_hint = false} : vector<1280x128xf32>, vector<128x64xf32>, vector<1280x64xf32> -> vector<1280x64xf32>
    %get3A_70 = arith.constant 0 : index
    %get3A_71 = arith.constant 0 : index
    %get3A_72 = vector.load %arg10[%get3A_70, %get3A_71] : memref<1x64xf32, #tpu.memory_space<vmem>>, vector<1x64xf32>
    %add3A_73 = vector.broadcast %get3A_72 : vector<1x64xf32> to vector<1280x64xf32>
    %add3A_74 = arith.addf %dot_general3A_69, %add3A_73 : vector<1280x64xf32>
    %mul3A_75 = vector.broadcast %logistic3A_38 : f32 to vector<1280x64xf32>
    %mul3A_76 = arith.mulf %mul3A_75, %add3A_74 : vector<1280x64xf32>
    %get3A_77 = arith.constant 0 : index
    %get3A_78 = arith.constant 0 : index
    %get3A_79 = vector.load %arg11[%get3A_77, %get3A_78] : memref<1x64xf32, #tpu.memory_space<vmem>>, vector<1x64xf32>
    %add3A_80 = vector.broadcast %get3A_79 : vector<1x64xf32> to vector<1280x64xf32>
    %add3A_81 = arith.addf %mul3A_76, %add3A_80 : vector<1280x64xf32>
    %swap3A_82 = arith.constant 0 : index
    %swap3A_83 = arith.constant 0 : index
    %swap3A_84 = vector.load %arg14[%swap3A_82, %swap3A_83] : memref<1280x64xf32, #tpu.memory_space<vmem>>, vector<1280x64xf32>
    tpu.vector_store %arg14[%swap3A_82, %swap3A_83], %add3A_81 {strides = array<i32>} : memref<1280x64xf32, #tpu.memory_space<vmem>>, vector<1280x64xf32>,
    return
  }
  func.func @transform_0(%arg0: i32) -> (i32, i32, i32) {
    %c0_i32 = arith.constant 0 : i32
    %c0_i32_0 = arith.constant 0 : i32
    %c0_i32_1 = arith.constant 0 : i32
    return %c0_i32, %arg0, %c0_i32_0 : i32, i32, i32
  }
  func.func @transform_1(%arg0: i32) -> (i32, i32) {
    %c0_i32 = arith.constant 0 : i32
    %c0_i32_0 = arith.constant 0 : i32
    return %arg0, %c0_i32 : i32, i32
  }
  func.func @transform_2(%arg0: i32) -> (i32, i32) {
    %c0_i32 = arith.constant 0 : i32
    %c0_i32_0 = arith.constant 0 : i32
    return %arg0, %c0_i32 : i32, i32
  }
  func.func @transform_3(%arg0: i32) -> (i32, i32) {
    %c0_i32 = arith.constant 0 : i32
    %c0_i32_0 = arith.constant 0 : i32
    return %arg0, %c0_i32 : i32, i32
  }
  func.func @transform_4(%arg0: i32) -> (i32, i32) {
    %c0_i32 = arith.constant 0 : i32
    %c0_i32_0 = arith.constant 0 : i32
    %c0_i32_1 = arith.constant 0 : i32
    return %c0_i32, %c0_i32_0 : i32, i32
  }
  func.func @transform_5(%arg0: i32) -> (i32, i32) {
    %c0_i32 = arith.constant 0 : i32
    %c0_i32_0 = arith.constant 0 : i32
    %c0_i32_1 = arith.constant 0 : i32
    return %c0_i32, %c0_i32_0 : i32, i32
  }
  func.func @transform_6(%arg0: i32) -> (i32, i32) {
    %c0_i32 = arith.constant 0 : i32
    %c0_i32_0 = arith.constant 0 : i32
    %c0_i32_1 = arith.constant 0 : i32
    return %c0_i32, %c0_i32_0 : i32, i32
  }
  func.func @transform_7(%arg0: i32) -> (i32, i32) {
    %c0_i32 = arith.constant 0 : i32
    %c0_i32_0 = arith.constant 0 : i32
    %c0_i32_1 = arith.constant 0 : i32
    return %c0_i32, %c0_i32_0 : i32, i32
  }
  func.func @transform_8(%arg0: i32) -> (i32, i32) {
    %c0_i32 = arith.constant 0 : i32
    %c0_i32_0 = arith.constant 0 : i32
    %c0_i32_1 = arith.constant 0 : i32
    return %c0_i32, %c0_i32_0 : i32, i32
  }
  func.func @transform_9(%arg0: i32) -> (i32, i32) {
    %c0_i32 = arith.constant 0 : i32
    %c0_i32_0 = arith.constant 0 : i32
    %c0_i32_1 = arith.constant 0 : i32
    return %c0_i32, %c0_i32_0 : i32, i32
  }
  func.func @transform_10(%arg0: i32) -> (i32, i32) {
    %c0_i32 = arith.constant 0 : i32
    %c0_i32_0 = arith.constant 0 : i32
    %c0_i32_1 = arith.constant 0 : i32
    return %c0_i32, %c0_i32_0 : i32, i32
  }
  func.func @transform_11(%arg0: i32) -> (i32, i32) {
    %c0_i32 = arith.constant 0 : i32
    %c0_i32_0 = arith.constant 0 : i32
    %c0_i32_1 = arith.constant 0 : i32
    return %c0_i32, %c0_i32_0 : i32, i32
  }
  func.func @transform_12(%arg0: i32) -> (i32, i32) {
    %c0_i32 = arith.constant 0 : i32
    %c0_i32_0 = arith.constant 0 : i32
    return %arg0, %c0_i32 : i32, i32
  }
  func.func @transform_13(%arg0: i32) -> (i32, i32) {
    %c0_i32 = arith.constant 0 : i32
    %c0_i32_0 = arith.constant 0 : i32
    return %arg0, %c0_i32 : i32, i32
  }
}

module attributes {stable_mosaic.version = 14 : i64} {
  func.func @body(%arg0: i32, %arg1: memref<2x2000x64xf32, #tpu.memory_space<vmem>>, %arg2: memref<2000x64xf32, #tpu.memory_space<vmem>>, %arg3: memref<2000x1xf32, #tpu.memory_space<vmem>>, %arg4: memref<2000x64xf32, #tpu.memory_space<vmem>>, %arg5: memref<2000x64xf32, #tpu.memory_space<vmem>>) attributes {dimension_semantics = [#tpu.dimension_semantics<arbitrary>], iteration_bounds = array<i64: 5>, scalar_prefetch = 0 : i64, scratch_operands = 0 : i64, tpu.core_type = #tpu.core_type<tc>, window_params = [{transform_indices = @transform_0, window_bounds = array<i64: 2, 2000, 64>}, {transform_indices = @transform_1, window_bounds = array<i64: 2000, 64>}, {transform_indices = @transform_2, window_bounds = array<i64: 2000, 1>}, {transform_indices = @transform_3, window_bounds = array<i64: 2000, 64>}, {transform_indices = @transform_4, window_bounds = array<i64: 2000, 64>}]} {
    %get3A = arith.constant 0 : index
    %get3A_0 = arith.constant 0 : index
    %get3A_1 = vector.load %arg3[%get3A, %get3A_0] : memref<2000x1xf32, #tpu.memory_space<vmem>>, vector<2000x1xf32>
    %get3A_2 = arith.constant 0 : index
    %get3A_3 = arith.constant 0 : index
    %get3A_4 = arith.constant 0 : index
    %get3A_5 = vector.load %arg1[%get3A_2, %get3A_3, %get3A_4] : memref<2x2000x64xf32, #tpu.memory_space<vmem>>, vector<1x2000x64xf32>
    %get3A_6 = vector.shape_cast %get3A_5 : vector<1x2000x64xf32> to vector<2000x64xf32>
    %get3A_7 = arith.constant 1 : index
    %get3A_8 = arith.constant 0 : index
    %get3A_9 = arith.constant 0 : index
    %get3A_10 = vector.load %arg1[%get3A_7, %get3A_8, %get3A_9] : memref<2x2000x64xf32, #tpu.memory_space<vmem>>, vector<1x2000x64xf32>
    %get3A_11 = vector.shape_cast %get3A_10 : vector<1x2000x64xf32> to vector<2000x64xf32>
    %add3A = arith.addf %get3A_6, %get3A_11 : vector<2000x64xf32>
    %get3A_12 = arith.constant 0 : index
    %get3A_13 = arith.constant 0 : index
    %get3A_14 = vector.load %arg2[%get3A_12, %get3A_13] : memref<2000x64xf32, #tpu.memory_space<vmem>>, vector<2000x64xf32>
    %add3A_15 = arith.addf %add3A, %get3A_14 : vector<2000x64xf32>
    %mul3A = vector.broadcast %get3A_1 : vector<2000x1xf32> to vector<2000x64xf32>
    %mul3A_16 = arith.mulf %mul3A, %add3A_15 : vector<2000x64xf32>
    %get3A_17 = arith.constant 0 : index
    %get3A_18 = arith.constant 0 : index
    %get3A_19 = vector.load %arg4[%get3A_17, %get3A_18] : memref<2000x64xf32, #tpu.memory_space<vmem>>, vector<2000x64xf32>
    %add3A_20 = arith.addf %mul3A_16, %get3A_19 : vector<2000x64xf32>
    %swap3A = arith.constant 0 : index
    %swap3A_21 = arith.constant 0 : index
    %swap3A_22 = vector.load %arg5[%swap3A, %swap3A_21] : memref<2000x64xf32, #tpu.memory_space<vmem>>, vector<2000x64xf32>
    tpu.vector_store %arg5[%swap3A, %swap3A_21], %add3A_20 {strides = array<i32>} : memref<2000x64xf32, #tpu.memory_space<vmem>>, vector<2000x64xf32>,
    return
  }
  func.func @transform_0(%arg0: i32) -> (i32, i32, i32) {
    %c0_i32 = arith.constant 0 : i32
    %c0_i32_0 = arith.constant 0 : i32
    %c0_i32_1 = arith.constant 0 : i32
    return %c0_i32, %arg0, %c0_i32_0 : i32, i32, i32
  }
  func.func @transform_1(%arg0: i32) -> (i32, i32) {
    %c0_i32 = arith.constant 0 : i32
    %c0_i32_0 = arith.constant 0 : i32
    return %arg0, %c0_i32 : i32, i32
  }
  func.func @transform_2(%arg0: i32) -> (i32, i32) {
    %c0_i32 = arith.constant 0 : i32
    %c0_i32_0 = arith.constant 0 : i32
    return %arg0, %c0_i32 : i32, i32
  }
  func.func @transform_3(%arg0: i32) -> (i32, i32) {
    %c0_i32 = arith.constant 0 : i32
    %c0_i32_0 = arith.constant 0 : i32
    return %arg0, %c0_i32 : i32, i32
  }
  func.func @transform_4(%arg0: i32) -> (i32, i32) {
    %c0_i32 = arith.constant 0 : i32
    %c0_i32_0 = arith.constant 0 : i32
    return %arg0, %c0_i32 : i32, i32
  }
}

</mosaic_0001>

<sc_bundles>
// kernel: kernel.11.cloned.1.call-start
scs
__scs_entry_jumppad:
0x0: {  	(pc) =	sbr.rel $0x88, $3  }
0x1: {  	(tag) =	ssettag $0x0;
	lr =	simm.s32 $0x1  }
0x2: {  	[smem:$0x3F95] =	sst lr;
	_ =	strace $0xD0000000  }
0x3: {  	_ = 	snop  }
0x4: {  	_ = 	snop  }
0x5: {  	_ = 	snop  }
0x6: {  	_ = 	snop  }
0x7: {  	_ = 	snop  }
__scs_overlays_trampoline_lowered:
0x8: {  	[smem:$0x3FA4] =	sst s0  }
0x9: {  	[smem:$0x3FA5] =	sst s1  }
0xa: {  	[smem:$0x3FA6] =	sst s2  }
0xb: {  	[smem:$0x3FA7] =	sst s3  }
0xc: {  	[smem:$0x3FA8] =	sst s4  }
0xd: {  	[smem:$0x3FA9] =	sst s5  }
0xe: {  	[smem:$0x3FAA] =	sst s6  }
0xf: {  	[smem:$0x3FAB] =	sst s7  }
0x10: {  	[smem:$0x3FAC] =	sst s8  }
0x11: {  	[smem:$0x3FAD] =	sst s9;
	s0 =	simm.s32 @!p0 $0x0  }
0x12: {  	s1 =	sld [smem:$0x3F93];
	s0 =	simm.s32 @p0 $0x1  }
0x13: {  	[smem:$0x3FAE] =	sst s0;
	s0 =	simm.s32 @!p1 $0x0  }
0x14: {  	s2 =	sld [smem:$0x3F92];
	s0 =	simm.s32 @p1 $0x1  }
0x15: {  	[smem:$0x3FAF] =	sst s0;
	s0 =	simm.s32 @!p2 $0x0  }
0x16: {  	s3 =	sld [smem:$0x3FDB];
	s0 =	simm.s32 @p2 $0x1  }
0x17: {  	s4 =	simm.s32 $0x1BF5;
	[smem:$0x3FB1] =	sst s0  }
0x18: {  	s0 =	sld [smem:$0x3F94];
	_ =	swait.ge [sflag:s4], $0x0  }
0x19: {  	s7 =	sld [smem:$0x3F95]  }
0x1a: {  	s8 =	sadd.s32 $0xFFFFE003, lr  }
0x1b: {  	s9 =	sadd.s32 $0xFFFFFEF7, lr;
	s5 =	simm.s32 $0xFFFFFFFF;
	p2 =	slt.u32 s8, $0xFFFFF086  }
0x1c: {  	p1 =	slt.u32 s9, $0xF7A;
	s5 =	simm.s32 @!p2 $0x0  }
0x1d: {  	s5 =	simm.s32 @p1 $0x1;
	p0 =	seq.s32 s7, s2  }
0x1e: {  	s7 =	smul.u32 @!p0 $0xF7A, s2;
	p2 =	seq.s32 @!p0 s5, $0x0  }
0x1f: {  	s9 =	smul.u32 $0xF7A, s1;
	s8 =	simm.s32 @!p0 $0x1BF5;
	p2 =	por !p2, p0  }
0x20: {  	[sflag:s8] =	ssyncset.s32 @!p0 $0xFFFFF086;
	s6 =	sadd.s32 @!p0 s3, s7;
	s7 =	simm.s32 @!p0 $0x108  }
0x21: {  	s3 =	sadd.s32 s3, s9;
	s6 =	sadd.s32 @!p0 $0x88, s6;
	s7 =	simm.s32 @p2 $0x1082  }
0x22: {  	[simem:s7], [sflag:s8] =	dma.local @!p0 [hbm:s6], $0xF7A  }
0x23: {  	s9 =	sor.u32 $0xD0000000, s2;
	s6 =	simm.s32 $0x108;
	_ =	swait.ge @!p0 [sflag:s8], $0x0  }
0x24: {  	s3 =	sadd.s32 $0x88, s3;
	s6 =	simm.s32 @!p1 $0x1082;
	[sflag:s4] =	ssyncset.s32 $0xFFFFF086  }
0x25: {  	[simem:s6], [sflag:s4] =	dma.local [hbm:s3], $0xF7A  }
0x26: {  	[smem:$0x3F95] =	sst s1;
	(tag) =	ssettag s2;
	_ =	strace s9  }
0x27: {  	s1 =	sld [smem:$0x3FA5]  }
0x28: {  	s2 =	sld [smem:$0x3FA6]  }
0x29: {  	s4 =	sld [smem:$0x3FA8]  }
0x2a: {  	p0 =	seq.s32 s5, $0x0;
	s5 =	sld [smem:$0x3FA9]  }
0x2b: {  	s6 =	sld [smem:$0x3FAA]  }
0x2c: {  	s7 =	sld [smem:$0x3FAB]  }
0x2d: {  	s3 =	simm.s32 $0x108;
	s8 =	sld [smem:$0x3FAC]  }
0x2e: {  	s3 =	simm.s32 @!p0 $0x1082;
	s9 =	sld [smem:$0x3FAD]  }
0x2f: {  	lr =	sadd.s32 s0, s3;
	s0 =	sld [smem:$0x3FA4]  }
0x30: {  	s3 =	sld [smem:$0x3FA7]  }
0x31: {  	[smem:$0x3FB0] =	sst s10  }
0x32: {  	s10 =	sld [smem:$0x3FAE];
	_ =	sdelay $0x3  }
0x33: {  	p0 =	seq.s32 s10, $0x1;
	s10 =	sld [smem:$0x3FB0];
	_ =	sdelay $0x3  }
0x34: {  	[smem:$0x3FB0] =	sst s10  }
0x35: {  	s10 =	sld [smem:$0x3FAF];
	_ =	sdelay $0x3  }
0x36: {  	p1 =	seq.s32 s10, $0x1;
	s10 =	sld [smem:$0x3FB0];
	_ =	sdelay $0x3  }
0x37: {  	[smem:$0x3FB0] =	sst s10  }
0x38: {  	s10 =	sld [smem:$0x3FB1]  }
0x39: {  	_ = 	snop;
	(pc) =	sbr.ind lr, $3  }
0x3a: {  	_ = 	snop  }
0x3b: {  	_ = 	snop  }
0x3c: {  	p2 =	seq.s32 s10, $0x1;
	s10 =	sld [smem:$0x3FB0]  }
0x3d: {  	_ =	shalt  }
0x3e: {  	_ =	shalt  }
0x3f: {  	_ =	shalt  }
0x40: {  	_ =	shalt  }
0x41: {  	_ =	shalt  }
0x42: {  	_ =	shalt  }
0x43: {  	_ =	shalt  }
0x44: {  	_ =	shalt  }
0x45: {  	_ =	shalt  }
0x46: {  	_ =	shalt  }
0x47: {  	_ =	shalt  }
0x48: {  	_ =	shalt  }
0x49: {  	_ =	shalt  }
0x4a: {  	_ =	shalt  }
0x4b: {  	_ =	shalt  }
0x4c: {  	_ =	shalt  }
0x4d: {  	_ =	shalt  }
0x4e: {  	_ =	shalt  }
0x4f: {  	_ =	shalt  }
0x50: {  	_ =	shalt  }
0x51: {  	_ =	shalt  }
0x52: {  	_ =	shalt  }
0x53: {  	_ =	shalt  }
0x54: {  	_ =	shalt  }
0x55: {  	_ =	shalt  }
0x56: {  	_ =	shalt  }
0x57: {  	_ =	shalt  }
0x58: {  	_ =	shalt  }
0x59: {  	_ =	shalt  }
0x5a: {  	_ =	shalt  }
0x5b: {  	_ =	shalt  }
0x5c: {  	_ =	shalt  }
0x5d: {  	_ =	shalt  }
0x5e: {  	_ =	shalt  }
0x5f: {  	_ =	shalt  }
0x60: {  	_ =	shalt  }
0x61: {  	_ =	shalt  }
0x62: {  	_ =	shalt  }
0x63: {  	_ =	shalt  }
0x64: {  	_ =	shalt  }
0x65: {  	_ =	shalt  }
0x66: {  	_ =	shalt  }
0x67: {  	_ =	shalt  }
0x68: {  	_ =	shalt  }
0x69: {  	_ =	shalt  }
0x6a: {  	_ =	shalt  }
0x6b: {  	_ =	shalt  }
0x6c: {  	_ =	shalt  }
0x6d: {  	_ =	shalt  }
0x6e: {  	_ =	shalt  }
0x6f: {  	_ =	shalt  }
0x70: {  	_ =	shalt  }
0x71: {  	_ =	shalt  }
0x72: {  	_ =	shalt  }
0x73: {  	_ =	shalt  }
0x74: {  	_ =	shalt  }
0x75: {  	_ =	shalt  }
0x76: {  	_ =	shalt  }
0x77: {  	_ =	shalt  }
0x78: {  	_ =	shalt  }
0x79: {  	_ =	shalt  }
0x7a: {  	_ =	shalt  }
0x7b: {  	_ =	shalt  }
0x7c: {  	_ =	shalt  }
0x7d: {  	_ =	shalt  }
0x7e: {  	_ =	shalt  }
0x7f: {  	_ =	shalt  }
0x80: {  	_ =	shalt  }
0x81: {  	_ =	shalt  }
0x82: {  	_ =	shalt  }
0x83: {  	_ =	shalt  }
0x84: {  	_ =	shalt  }
0x85: {  	_ =	shalt  }
0x86: {  	_ =	shalt  }
0x87: {  	_ =	shalt  }
.Lfunc_end0:
.L_simem_size_0:
called_computation.1_lowered:
.L_overlay_start_0:
0x88: {  	s2 =	sld [smem:$0x3FD9]  }
0x89: {  	s3 =	sld [smem:$0x3FFE];
	_ =	sdelay $0x1  }
0x8a: {  	s1 =	srdreg.scid  }
0x8b: {  	s0 =	sand.u32 $0x1, s1  }
0x8c: {  	s17 =	sshll.u32 s0, $0xA;
	s2 =	sadd.s32 s3, s2  }
0x8d: {  	s2 =	sadd.s32 s2, s17  }
0x8e: {  	[smem:$0x3FBC] =	sst s2  }
0x8f: {  	_ = 	snop  }
0x90: {  	s2 =	sld [smem:$0x3FD0];
	(tm) =	ssettm $0x1  }
0x91: {  	s18 =	sld [smem:$0x3FFB];
	_ =	sdelay $0x3  }
0x92: {  	_ =	strace s18  }
0x93: {  	s3 =	sld [smem:$0x3FFC];
	_ =	sdelay $0x3  }
0x94: {  	_ =	strace s3  }
0x95: {  	s3 =	sld [smem:$0x3FFD];
	_ =	sdelay $0x3  }
0x96: {  	_ =	strace s3  }
0x97: {  	_ =	strace $0x8FFFFFFF  }
0x98: {  	s19 =	sld [smem:$0x3FDB];
	_ =	sdelay $0x1  }
0x99: {  	s4 =	simm.s32 $_scs_section_size  }
0x9a: {  	s5 =	simm.s32 $_size__tile_overlayer_lowered;
	s6 =	simm.s32 $_tile_overlayer_lowered  }
0x9b: {  	s22 =	simm.s32 $0x1BFF;
	s21 =	sshll.u32 s6, $0x1;
	s3 =	sadd.s32 s4, s19  }
0x9c: {  	s7 =	simm.s32 $0x0;
	s20 =	sshll.u32 s5, $0x1;
	s5 =	sadd.s32 s21, s3  }
0x9d: {  	[timem:s7], [sflag:s22] =	dma.local [hbm:s5], s20  }
0x9e: {  	_ =	swait.ge [sflag:s22], s20  }
0x9f: {  	s4 =	ssub.s32 $0x0, s20;
	[sflag:s22] =	ssyncset.done $0x0  }
0xa0: {  	[sflag:s22] =	ssyncadd.s32 s4;
	_ =	sdelay $0x1  }
0xa1: {  	s23 =	simm.s32 $0x1B8B  }
0xa2: {  	_ =	swait.ge [sflag:s23], $0x1  }
0xa3: {  	[sflag:s23] =	ssyncset.done $0x0  }
0xa4: {  	s25 =	simm.s32 $0x1B8E;
	s24 =	sld [smem:$0x3FFE];
	[sflag:s23] =	ssyncadd.s32 $0xFFFFFFFF  }
0xa5: {  	s26 =	simm.s32 $execute0_lowered;
	[smem:$0x3FD2] =	sst s25  }
0xa6: {  	s5 =	sshll.u32 s26, $0x1;
	_ =	strace $0x80000049;
	[dreg:$0x1] =	wrdreg $0xFFFFFFFF  }
0xa7: {  	s28 =	simm.s32 $_size_execute0_lowered;
	s3 =	sadd.s32 s3, s5;
	[dreg:$0x0] =	wrdreg $0x0  }
0xa8: {  	s5 =	sshll.u32 s28, $0x1;
	[dreg:$0x2] =	wrdreg s3  }
0xa9: {  	[dreg:$0x3] =	wrdreg s5  }
0xaa: {  	[dreg:$0x4] =	wrdreg $0xC0  }
0xab: {  	_ =	task [dreg:s7], $0x5FFFF  }
0xac: {  	[dreg:$0x1] =	wrdreg $0xFFFFFFFF  }
0xad: {  	[dreg:$0x0] =	wrdreg $0x60  }
0xae: {  	[dreg:$0x2] =	wrdreg s24  }
0xaf: {  	[dreg:$0x3] =	wrdreg s2  }
0xb0: {  	[dreg:$0x4] =	wrdreg $0xB5400  }
0xb1: {  	[dreg:$0x5] =	wrdreg $0x9  }
0xb2: {  	_ =	task.clear_ibuf [dreg:s7], $0x6FFFF;
	_ =	strace $0x90000049  }
0xb3: {  	s29 =	simm.s32 $0x9;
	_ =	strace $0x8000004B  }
0xb4: {  	_ =	swait.ge [sflag:s29], $0x1  }
0xb5: {  	[sflag:s29] =	ssyncadd.s32 $0xFFFFFFFF  }
0xb6: {  	_ =	strace $0x9000004B  }
0xb7: {  	_ =	sfence  }
0xb8: {  	s30 =	sld [smem:$0x0];
	_ =	sdelay $0x2  }
0xb9: {  	s31 =	sshll.u32 s1, $0xD;
	s1 =	sshrl.u32 s1, $0x2  }
0xba: {  	s3 =	sand.u32 $0x4000, s31;
	s1 =	sadd.s32 s1, s30  }
0xbb: {  	s0 =	sor.u32 s3, s0;
	s1 =	sshll.u32 s1, $0x11  }
0xbc: {  	s0 =	sor.u32 s1, s0  }
0xbd: {  	s0 =	sadd.s32 $0x8F2B, s0  }
0xbe: {  	[sflag:s0] =	ssyncadd.remote.s32 $0x1  }
0xbf: {  	_ =	sfence.sel $0xFFFF  }
0xc0: {  	[dreg:$0x0] =	wrdreg $0xFFFFFFFF;
	(pc) =	sbr.abs _section_cstart, $3  }
0xc1: {  	[dreg:$0x1] =	wrdreg $0xFFFFFFFF  }
0xc2: {  	_ =	task.clear_ibuf [dreg:s7], $0x2FFFF;
	_ =	strace $0x9FFFFFFF  }
0xc3: {  	(tm) =	ssettm $0x7FFFFFFF  }
tec
execute0_lowered:
.L_overlay_start_1:
0x0: {  	(tag) =	ssettag $0x1  }
0x1: {  	s5 =	rddreg [dreg:$0x0]  }
0x2: {  	s6 =	rddreg [dreg:$0x1]  }
0x3: {  	s2 =	rddreg [dreg:$0x2]  }
0x4: {  	s0 =	rddreg [dreg:$0x3];
	s3 =	simm.s32 $0x0  }
0x5: {  	s1 =	stileid.u32;
	s4 =	srdreg.scid;
	s15 =	simm.s32 $0x6540  }
0x6: {  	s16 =	simm.s32 $0x8D40;
	s17 =	simm.s32 $0x1;
	s18 =	simm.s32 $0x3  }
0x7: {  	s19 =	simm.s32 $0xA0;
	s20 =	simm.s32 $0x2;
	s21 =	simm.s32 $0x32F0  }
0x8: {  	s22 =	simm.s32 $0x4;
	s23 =	simm.s32 $0x3250;
	s7 =	smul.u32 $0x14000, s1  }
0x9: {  	s24 =	simm.s32 $0x64F0;
	s25 =	simm.s32 $0x0;
	s8 =	smul.u32 $0xA2, s1  }
0xa: {  	[smem:$0x7FF] =	sst s3;
	s11 =	sand.u32 $0x1, s4;
	s9 =	smul.u32 $0x58, s1  }
0xb: {  	s4 =	sadd.s32 $0x3600, s5;
	s31 =	sshll.u32 s1, $0x6;
	_ =	strace $0x8000004A  }
0xc: {  	s10 =	smul.u32 $0x140000, s11;
	p0 =	seq.s32 s11, $0x0;
	s28 =	ssub.s32 $0x2, s11  }
0xd: {  	s8 =	sadd.s32 $0x580, s8;
	s12 =	sshrl.u32 s7, $0x3;
	s13 =	sshrl.u32 s28, $0x1  }
0xe: {  	s30 =	sadd.s32 s7, s2;
	s9 =	smov.u32 @p0 s8;
	s26 =	sadd.s32 s7, s10  }
0xf: {  	s12 =	sadd.s32 s12, s5;
	s10 =	ssub.s32 s28, s13;
	s9 =	smul.u32 $0x50, s9  }
.Ltmp0:
0x10: {  	s7 =	sor.u32 $0x1C05, s31;
	p0 =	sne.s32 s11, $0x0;
	(pc) =	sbr.rel .LBB2_1-.Ltmp0, $4  }
0x11: {  	s11 =	sshrl.u32 s30, $0x3;
	s13 =	simm.s32 $0x32A0;
	s8 =	sshrl.u32 s26, $0x3  }
0x12: {  	s10 =	smax.u32 s10, $0x1;
	s14 =	sadd.s32 s8, s5;
	s29 =	sshrl.u32 s9, $0x3  }
0x13: {  	s9 =	sadd.s32 $0x7B600, s14;
	s14 =	simm.s32 $0x50;
	s5 =	sadd.s32 s6, s29  }
0x14: {  	s6 =	sadd.s32 $0x53600, s12;
	s12 =	simm.s32 $0x5;
	s8 =	sadd.s32 $0x9C40, s5  }
.LBB2_7:
0x15: {  	s26 =	sshra.s32 s26, $0x2;
	[sflag:s12] =	ssyncadd.s32 $0xFFFFD800  }
0x16: {  	[tilespmem:s15], [sflag:$0x1] =	stream.indirect.gather [hbm4b:s4+s14], $0x80, s26, s14, $0xb8;
	[tilespmem:$0x1F540] =	vst v63  }
0x17: {  	_ =	swait.ge [sflag:s17], $0x2800  }
0x18: {  	[sflag:s17] =	ssyncset.done $0x0  }
0x19: {  	s26 =	sadd.s32 $0x32A0, s26;
	[sflag:s17] =	ssyncadd.s32 $0xFFFFD800  }
0x1a: {  	[spmem:s2] =	stream.indirect.scatter.add.f32 [tilespmem:s15], [sflag:$0x5], $0x80, s26, s14, $0xb8;
	[tilespmem:$0x1F540] =	vst v63  }
0x1b: {  	_ =	swait.ge [sflag:s12], $0x2800  }
0x1c: {  	[sflag:s12] =	ssyncset.done $0x0  }
0x1d: {  	[sflag:s12] =	ssyncadd.s32 $0xFFFFD800  }
.LBB2_8:
0x1e: {  	s25 =	sadd.s32 $0x1, s25  }
0x1f: {  	p1 =	sne.s32 s25, s10  }
.Ltmp1:
0x20: {  	[bflag:$0x0] =	sbarrier.arrive $0xFFFF;
	(pc) =	sbr.rel @!p1 .LBB2_9-.Ltmp1, $4  }
0x21: {  	[hbm:s9], [sflag:s7] =	dma.local [spmem:s11], $0x2800  }
0x22: {  	_ =	swait.ge [sflag:s12], $0x2800  }
0x23: {  	[sflag:s12] =	ssyncset.done $0x0  }
0x24: {  	[sflag:s12] =	ssyncadd.s32 $0xFFFFD800  }
.LBB2_1:
0x25: {  	[spmem:s11], [sflag:s7] =	dma.local [hbm:s6], $0x2800  }
0x26: {  	_ =	swait.ge [sflag:s12], $0x2800  }
0x27: {  	[sflag:s12] =	ssyncset.done $0x0  }
0x28: {  	[sflag:s12] =	ssyncadd.s32 $0xFFFFD800  }
0x29: {  	[tilespmem:s3], [sflag:$0x5] =	stream.linear.gather [hbm4b:s5+s3], $0x32A0, $0x38;
	[tilespmem:$0x1F540] =	vst v63  }
0x2a: {  	_ =	swait.ge [sflag:s12], $0x32A0  }
0x2b: {  	[sflag:s12] =	ssyncset.done $0x0  }
0x2c: {  	[sflag:s12] =	ssyncadd.s32 $0xFFFFCD60  }
0x2d: {  	[tilespmem:s13], [sflag:$0x5] =	stream.linear.gather [hbm4b:s8+s3], $0x32A0, $0x38;
	[tilespmem:$0x1F540] =	vst v63  }
.Ltmp2:
0x2e: {  	_ =	swait.ge [sflag:s12], $0x32A0;
	(pc) =	sbr.rel @p0 .LBB2_5-.Ltmp2, $3  }
0x2f: {  	[sflag:s12] =	ssyncset.done $0x0  }
0x30: {  	[sflag:s12] =	ssyncadd.s32 $0xFFFFCD60  }
0x31: {  	[bflag:$0x0] =	sbarrier.arrive $0xFFFF;
	_ =	sdelay $0x1  }
0x32: {  	[tilespmem:s15], [sflag:$0x1] =	stream.indirect.gather [hbm4b:s4+s14], $0x80, s3, s14, $0xb8;
	[tilespmem:$0x1F540] =	vst v63  }
0x33: {  	_ = 	snop  }
0x34: {  	[tilespmem:s16], [sflag:$0x2] =	stream.indirect.gather [hbm4b:s4+s14], $0x80, s14, s14, $0xb8;
	[tilespmem:$0x1F540] =	vst v63  }
0x35: {  	_ =	swait.ge [sflag:s17], $0x2800  }
0x36: {  	[sflag:s17] =	ssyncset.done $0x0  }
0x37: {  	[sflag:s17] =	ssyncadd.s32 $0xFFFFD800  }
0x38: {  	[spmem:s2] =	stream.indirect.scatter.add.f32 [tilespmem:s15], [sflag:$0x3], $0x80, s13, s14, $0xb8;
	[tilespmem:$0x1F540] =	vst v63  }
0x39: {  	_ =	swait.ge [sflag:s18], $0x2800  }
0x3a: {  	[sflag:s18] =	ssyncset.done $0x0  }
0x3b: {  	[sflag:s18] =	ssyncadd.s32 $0xFFFFD800  }
0x3c: {  	[tilespmem:s15], [sflag:$0x1] =	stream.indirect.gather [hbm4b:s4+s14], $0x80, s19, s14, $0xb8;
	[tilespmem:$0x1F540] =	vst v63  }
0x3d: {  	_ =	swait.ge [sflag:s20], $0x2800  }
0x3e: {  	[sflag:s20] =	ssyncset.done $0x0  }
0x3f: {  	[sflag:s20] =	ssyncadd.s32 $0xFFFFD800  }
0x40: {  	[spmem:s2] =	stream.indirect.scatter.add.f32 [tilespmem:s16], [sflag:$0x4], $0x80, s21, s14, $0xb8;
	[tilespmem:$0x1F540] =	vst v63  }
0x41: {  	_ =	swait.ge [sflag:s22], $0x2800  }
0x42: {  	[sflag:s22] =	ssyncset.done $0x0  }
0x43: {  	s26 =	simm.s32 $0xF0;
	[sflag:s22] =	ssyncadd.s32 $0xFFFFD800  }
0x44: {  	[tilespmem:s16], [sflag:$0x2] =	stream.indirect.gather [hbm4b:s4+s14], $0x80, s26, s14, $0xb8;
	[tilespmem:$0x1F540] =	vst v63  }
0x45: {  	_ =	swait.ge [sflag:s17], $0x2800  }
0x46: {  	[sflag:s17] =	ssyncset.done $0x0  }
0x47: {  	s30 =	simm.s32 $0x3340;
	[sflag:s17] =	ssyncadd.s32 $0xFFFFD800  }
0x48: {  	[spmem:s2] =	stream.indirect.scatter.add.f32 [tilespmem:s15], [sflag:$0x3], $0x80, s30, s14, $0xb8;
	[tilespmem:$0x1F540] =	vst v63  }
0x49: {  	_ =	swait.ge [sflag:s18], $0x2800  }
0x4a: {  	[sflag:s18] =	ssyncset.done $0x0  }
0x4b: {  	s31 =	simm.s32 $0x140;
	[sflag:s18] =	ssyncadd.s32 $0xFFFFD800  }
0x4c: {  	[tilespmem:s15], [sflag:$0x1] =	stream.indirect.gather [hbm4b:s4+s14], $0x80, s31, s14, $0xb8;
	[tilespmem:$0x1F540] =	vst v63  }
0x4d: {  	_ =	swait.ge [sflag:s20], $0x2800  }
0x4e: {  	[sflag:s20] =	ssyncset.done $0x0  }
0x4f: {  	s28 =	simm.s32 $0x3390;
	s26 =	simm.s32 $0xFFFF3D00;
	[sflag:s20] =	ssyncadd.s32 $0xFFFFD800  }
.LBB2_3:
0x50: {  	[spmem:s2] =	stream.indirect.scatter.add.f32 [tilespmem:s16], [sflag:$0x4], $0x80, s28, s14, $0xb8;
	[tilespmem:$0x1F540] =	vst v63  }
0x51: {  	s28 =	smov.u32 s26;
	s26 =	sadd.s32 $0x280, s26;
	_ =	swait.ge [sflag:s22], $0x2800  }
0x52: {  	s28 =	sshra.s32 s28, $0x2;
	p1 =	sne.s32 s26, $0x0;
	[sflag:s22] =	ssyncset.done $0x0  }
0x53: {  	s29 =	sadd.s32 $0x3250, s28;
	[sflag:s22] =	ssyncadd.s32 $0xFFFFD800  }
0x54: {  	[tilespmem:s16], [sflag:$0x2] =	stream.indirect.gather [hbm4b:s4+s14], $0x80, s29, s14, $0xb8;
	[tilespmem:$0x1F540] =	vst v63  }
0x55: {  	_ =	swait.ge [sflag:s17], $0x2800  }
0x56: {  	[sflag:s17] =	ssyncset.done $0x0  }
0x57: {  	s29 =	sadd.s32 $0x64A0, s28;
	[sflag:s17] =	ssyncadd.s32 $0xFFFFD800  }
0x58: {  	[spmem:s2] =	stream.indirect.scatter.add.f32 [tilespmem:s15], [sflag:$0x3], $0x80, s29, s14, $0xb8;
	[tilespmem:$0x1F540] =	vst v63  }
0x59: {  	_ =	swait.ge [sflag:s18], $0x2800  }
0x5a: {  	[sflag:s18] =	ssyncset.done $0x0  }
.Ltmp3:
0x5b: {  	s29 =	sadd.s32 $0x32A0, s28;
	[sflag:s18] =	ssyncadd.s32 $0xFFFFD800;
	(pc) =	sbr.rel @p1 .LBB2_3-.Ltmp3, $4  }
0x5c: {  	[tilespmem:s15], [sflag:$0x1] =	stream.indirect.gather [hbm4b:s4+s14], $0x80, s29, s14, $0xb8;
	[tilespmem:$0x1F540] =	vst v63  }
0x5d: {  	_ =	swait.ge [sflag:s20], $0x2800  }
0x5e: {  	[sflag:s20] =	ssyncset.done $0x0  }
0x5f: {  	s28 =	sadd.s32 $0x64F0, s28;
	[sflag:s20] =	ssyncadd.s32 $0xFFFFD800  }
0x60: {  	[spmem:s2] =	stream.indirect.scatter.add.f32 [tilespmem:s16], [sflag:$0x4], $0x80, s28, s14, $0xb8;
	[tilespmem:$0x1F540] =	vst v63  }
0x61: {  	_ =	swait.ge [sflag:s22], $0x2800  }
0x62: {  	[sflag:s22] =	ssyncset.done $0x0  }
0x63: {  	[sflag:s22] =	ssyncadd.s32 $0xFFFFD800  }
0x64: {  	[tilespmem:s16], [sflag:$0x2] =	stream.indirect.gather [hbm4b:s4+s14], $0x80, s23, s14, $0xb8;
	[tilespmem:$0x1F540] =	vst v63  }
0x65: {  	_ =	swait.ge [sflag:s17], $0x2800  }
0x66: {  	s26 =	sshra.s32 s26, $0x2;
	[sflag:s17] =	ssyncset.done $0x0  }
0x67: {  	s26 =	sadd.s32 $0x64A0, s26;
	[sflag:s17] =	ssyncadd.s32 $0xFFFFD800  }
0x68: {  	[spmem:s2] =	stream.indirect.scatter.add.f32 [tilespmem:s15], [sflag:$0x3], $0x80, s26, s14, $0xb8;
	[tilespmem:$0x1F540] =	vst v63  }
0x69: {  	_ =	swait.ge [sflag:s18], $0x2800  }
0x6a: {  	[sflag:s18] =	ssyncset.done $0x0  }
0x6b: {  	[sflag:s18] =	ssyncadd.s32 $0xFFFFD800  }
0x6c: {  	_ =	swait.ge [sflag:s20], $0x2800  }
0x6d: {  	[sflag:s20] =	ssyncset.done $0x0  }
.Ltmp4:
0x6e: {  	[sflag:s20] =	ssyncadd.s32 $0xFFFFD800;
	(pc) =	sbr.rel .LBB2_8-.Ltmp4, $4  }
0x6f: {  	[spmem:s2] =	stream.indirect.scatter.add.f32 [tilespmem:s16], [sflag:$0x4], $0x80, s24, s14, $0xb8;
	[tilespmem:$0x1F540] =	vst v63  }
0x70: {  	_ =	swait.ge [sflag:s22], $0x2800  }
0x71: {  	[sflag:s22] =	ssyncset.done $0x0  }
0x72: {  	[sflag:s22] =	ssyncadd.s32 $0xFFFFD800  }
.LBB2_5:
0x73: {  	s26 =	simm.s32 $0x0  }
0x74: {  	[tilespmem:s15], [sflag:$0x1] =	stream.indirect.gather [hbm4b:s4+s14], $0x80, s26, s14, $0xb8;
	[tilespmem:$0x1F540] =	vst v63  }
0x75: {  	_ =	swait.ge [sflag:s17], $0x2800  }
0x76: {  	[sflag:s17] =	ssyncset.done $0x0  }
0x77: {  	s31 =	simm.s32 $0x32A0;
	[sflag:s17] =	ssyncadd.s32 $0xFFFFD800  }
0x78: {  	[spmem:s2] =	stream.indirect.scatter.add.f32 [tilespmem:s15], [sflag:$0x5], $0x80, s31, s14, $0xb8;
	[tilespmem:$0x1F540] =	vst v63  }
0x79: {  	_ =	swait.ge [sflag:s12], $0x2800  }
0x7a: {  	s28 =	simm.s32 $0x280;
	s26 =	simm.s32 $0x140;
	[sflag:s12] =	ssyncset.done $0x0  }
.LBB2_6:
0x7b: {  	s29 =	sshra.s32 s26, $0x2  }
0x7c: {  	[sflag:s12] =	ssyncadd.s32 $0xFFFFD800;
	s26 =	smov.u32 s28;
	s30 =	sadd.s32 $0x140, s28  }
0x7d: {  	[tilespmem:s15], [sflag:$0x1] =	stream.indirect.gather [hbm4b:s4+s14], $0x80, s29, s14, $0xb8;
	[tilespmem:$0x1F540] =	vst v63  }
0x7e: {  	p1 =	sne.s32 s28, $0x6CC0;
	_ =	swait.ge [sflag:s17], $0x2800  }
.Ltmp5:
0x7f: {  	[sflag:s17] =	ssyncset.done $0x0;
	(pc) =	sbr.rel @p1 .LBB2_6-.Ltmp5, $4  }
0x80: {  	s28 =	sadd.s32 $0x32A0, s29;
	[sflag:s17] =	ssyncadd.s32 $0xFFFFD800  }
0x81: {  	[spmem:s2] =	stream.indirect.scatter.add.f32 [tilespmem:s15], [sflag:$0x5], $0x80, s28, s14, $0xb8;
	[tilespmem:$0x1F540] =	vst v63  }
0x82: {  	_ =	swait.ge [sflag:s12], $0x2800  }
0x83: {  	s28 =	smov.u32 s30;
	[sflag:s12] =	ssyncset.done $0x0  }
.Ltmp6:
0x84: {  	_ = 	snop;
	(pc) =	sbr.rel .LBB2_7-.Ltmp6, $1  }
0x85: {  	_ =	sdelay $0x3  }
.LBB2_9:
0x86: {  	_ =	sfence.sel $0x180000  }
0x87: {  	[bflag:$0x0] =	sbarrier.arrive $0xFFFF  }
0x88: {  	p0 =	sne.s32 s1, $0x0;
	_ =	strace $0x9000004A  }
0x89: {  	s0 =	sadd.s32 @!p0 $0x100000, s0;
	[bflag:$0x2] =	sbarrier.arrive $0xFFFF  }
0x8a: {  	[sflag:s0] =	ssyncadd.tile.s32 @!p0 $0x1;
	_ =	shalt  }
.Lfunc_end2:
_tile_overlayer_lowered:
.L_overlay_start_2:
0x8b: {  	(tag) =	ssettag $0x2  }
0x8c: {  	s0 =	rddreg [dreg:$0x0];
	s2 =	stileid.u32  }
0x8d: {  	s1 =	rddreg [dreg:$0x1];
	p0 =	sne.s32 s2, $0x0  }
0x8e: {  	s3 =	rddreg [dreg:$0x2];
	[bflag:$0x3] =	sbarrier.arrive $0xFFFF;
	s2 =	simm.s32 @!p0 $0x1C05  }
0x8f: {  	[timem:s3], [sflag:s2] =	dma.local @!p0 [hbm:s0], s1  }
0x90: {  	s0 =	simm.s32 @!p0 $0x5  }
0x91: {  	_ =	swait.ge @!p0 [sflag:s0], s1  }
0x92: {  	s1 =	ssub.s32 @!p0 $0x0, s1;
	[sflag:s0] =	ssyncset.done @!p0 $0x0  }
0x93: {  	[sflag:s0] =	ssyncadd.s32 @!p0 s1  }
0x94: {  	[bflag:$0x3] =	sbarrier.arrive $0xFFFF  }
0x95: {  	_ =	shalt  }

// kernel: kernel.14.cloned.1.call-start
scs
__scs_entry_jumppad:
0x0: {  	(pc) =	sbr.rel $0x88, $3  }
0x1: {  	(tag) =	ssettag $0x0;
	lr =	simm.s32 $0x1  }
0x2: {  	[smem:$0x3F95] =	sst lr;
	_ =	strace $0xD0000000  }
0x3: {  	_ = 	snop  }
0x4: {  	_ = 	snop  }
0x5: {  	_ = 	snop  }
0x6: {  	_ = 	snop  }
0x7: {  	_ = 	snop  }
__scs_overlays_trampoline_lowered:
0x8: {  	[smem:$0x3FA4] =	sst s0  }
0x9: {  	[smem:$0x3FA5] =	sst s1  }
0xa: {  	[smem:$0x3FA6] =	sst s2  }
0xb: {  	[smem:$0x3FA7] =	sst s3  }
0xc: {  	[smem:$0x3FA8] =	sst s4  }
0xd: {  	[smem:$0x3FA9] =	sst s5  }
0xe: {  	[smem:$0x3FAA] =	sst s6  }
0xf: {  	[smem:$0x3FAB] =	sst s7  }
0x10: {  	[smem:$0x3FAC] =	sst s8  }
0x11: {  	[smem:$0x3FAD] =	sst s9;
	s0 =	simm.s32 @!p0 $0x0  }
0x12: {  	s1 =	sld [smem:$0x3F93];
	s0 =	simm.s32 @p0 $0x1  }
0x13: {  	[smem:$0x3FAE] =	sst s0;
	s0 =	simm.s32 @!p1 $0x0  }
0x14: {  	s2 =	sld [smem:$0x3F92];
	s0 =	simm.s32 @p1 $0x1  }
0x15: {  	[smem:$0x3FAF] =	sst s0;
	s0 =	simm.s32 @!p2 $0x0  }
0x16: {  	s3 =	sld [smem:$0x3FDB];
	s0 =	simm.s32 @p2 $0x1  }
0x17: {  	s4 =	simm.s32 $0x1BF5;
	[smem:$0x3FB1] =	sst s0  }
0x18: {  	s0 =	sld [smem:$0x3F94];
	_ =	swait.ge [sflag:s4], $0x0  }
0x19: {  	s7 =	sld [smem:$0x3F95]  }
0x1a: {  	s8 =	sadd.s32 $0xFFFFE003, lr  }
0x1b: {  	s9 =	sadd.s32 $0xFFFFFEF7, lr;
	s5 =	simm.s32 $0xFFFFFFFF;
	p2 =	slt.u32 s8, $0xFFFFF086  }
0x1c: {  	p1 =	slt.u32 s9, $0xF7A;
	s5 =	simm.s32 @!p2 $0x0  }
0x1d: {  	s5 =	simm.s32 @p1 $0x1;
	p0 =	seq.s32 s7, s2  }
0x1e: {  	s7 =	smul.u32 @!p0 $0xF7A, s2;
	p2 =	seq.s32 @!p0 s5, $0x0  }
0x1f: {  	s9 =	smul.u32 $0xF7A, s1;
	s8 =	simm.s32 @!p0 $0x1BF5;
	p2 =	por !p2, p0  }
0x20: {  	[sflag:s8] =	ssyncset.s32 @!p0 $0xFFFFF086;
	s6 =	sadd.s32 @!p0 s3, s7;
	s7 =	simm.s32 @!p0 $0x108  }
0x21: {  	s3 =	sadd.s32 s3, s9;
	s6 =	sadd.s32 @!p0 $0x88, s6;
	s7 =	simm.s32 @p2 $0x1082  }
0x22: {  	[simem:s7], [sflag:s8] =	dma.local @!p0 [hbm:s6], $0xF7A  }
0x23: {  	s9 =	sor.u32 $0xD0000000, s2;
	s6 =	simm.s32 $0x108;
	_ =	swait.ge @!p0 [sflag:s8], $0x0  }
0x24: {  	s3 =	sadd.s32 $0x88, s3;
	s6 =	simm.s32 @!p1 $0x1082;
	[sflag:s4] =	ssyncset.s32 $0xFFFFF086  }
0x25: {  	[simem:s6], [sflag:s4] =	dma.local [hbm:s3], $0xF7A  }
0x26: {  	[smem:$0x3F95] =	sst s1;
	(tag) =	ssettag s2;
	_ =	strace s9  }
0x27: {  	s1 =	sld [smem:$0x3FA5]  }
0x28: {  	s2 =	sld [smem:$0x3FA6]  }
0x29: {  	s4 =	sld [smem:$0x3FA8]  }
0x2a: {  	p0 =	seq.s32 s5, $0x0;
	s5 =	sld [smem:$0x3FA9]  }
0x2b: {  	s6 =	sld [smem:$0x3FAA]  }
0x2c: {  	s7 =	sld [smem:$0x3FAB]  }
0x2d: {  	s3 =	simm.s32 $0x108;
	s8 =	sld [smem:$0x3FAC]  }
0x2e: {  	s3 =	simm.s32 @!p0 $0x1082;
	s9 =	sld [smem:$0x3FAD]  }
0x2f: {  	lr =	sadd.s32 s0, s3;
	s0 =	sld [smem:$0x3FA4]  }
0x30: {  	s3 =	sld [smem:$0x3FA7]  }
0x31: {  	[smem:$0x3FB0] =	sst s10  }
0x32: {  	s10 =	sld [smem:$0x3FAE];
	_ =	sdelay $0x3  }
0x33: {  	p0 =	seq.s32 s10, $0x1;
	s10 =	sld [smem:$0x3FB0];
	_ =	sdelay $0x3  }
0x34: {  	[smem:$0x3FB0] =	sst s10  }
0x35: {  	s10 =	sld [smem:$0x3FAF];
	_ =	sdelay $0x3  }
0x36: {  	p1 =	seq.s32 s10, $0x1;
	s10 =	sld [smem:$0x3FB0];
	_ =	sdelay $0x3  }
0x37: {  	[smem:$0x3FB0] =	sst s10  }
0x38: {  	s10 =	sld [smem:$0x3FB1]  }
0x39: {  	_ = 	snop;
	(pc) =	sbr.ind lr, $3  }
0x3a: {  	_ = 	snop  }
0x3b: {  	_ = 	snop  }
0x3c: {  	p2 =	seq.s32 s10, $0x1;
	s10 =	sld [smem:$0x3FB0]  }
0x3d: {  	_ =	shalt  }
0x3e: {  	_ =	shalt  }
0x3f: {  	_ =	shalt  }
0x40: {  	_ =	shalt  }
0x41: {  	_ =	shalt  }
0x42: {  	_ =	shalt  }
0x43: {  	_ =	shalt  }
0x44: {  	_ =	shalt  }
0x45: {  	_ =	shalt  }
0x46: {  	_ =	shalt  }
0x47: {  	_ =	shalt  }
0x48: {  	_ =	shalt  }
0x49: {  	_ =	shalt  }
0x4a: {  	_ =	shalt  }
0x4b: {  	_ =	shalt  }
0x4c: {  	_ =	shalt  }
0x4d: {  	_ =	shalt  }
0x4e: {  	_ =	shalt  }
0x4f: {  	_ =	shalt  }
0x50: {  	_ =	shalt  }
0x51: {  	_ =	shalt  }
0x52: {  	_ =	shalt  }
0x53: {  	_ =	shalt  }
0x54: {  	_ =	shalt  }
0x55: {  	_ =	shalt  }
0x56: {  	_ =	shalt  }
0x57: {  	_ =	shalt  }
0x58: {  	_ =	shalt  }
0x59: {  	_ =	shalt  }
0x5a: {  	_ =	shalt  }
0x5b: {  	_ =	shalt  }
0x5c: {  	_ =	shalt  }
0x5d: {  	_ =	shalt  }
0x5e: {  	_ =	shalt  }
0x5f: {  	_ =	shalt  }
0x60: {  	_ =	shalt  }
0x61: {  	_ =	shalt  }
0x62: {  	_ =	shalt  }
0x63: {  	_ =	shalt  }
0x64: {  	_ =	shalt  }
0x65: {  	_ =	shalt  }
0x66: {  	_ =	shalt  }
0x67: {  	_ =	shalt  }
0x68: {  	_ =	shalt  }
0x69: {  	_ =	shalt  }
0x6a: {  	_ =	shalt  }
0x6b: {  	_ =	shalt  }
0x6c: {  	_ =	shalt  }
0x6d: {  	_ =	shalt  }
0x6e: {  	_ =	shalt  }
0x6f: {  	_ =	shalt  }
0x70: {  	_ =	shalt  }
0x71: {  	_ =	shalt  }
0x72: {  	_ =	shalt  }
0x73: {  	_ =	shalt  }
0x74: {  	_ =	shalt  }
0x75: {  	_ =	shalt  }
0x76: {  	_ =	shalt  }
0x77: {  	_ =	shalt  }
0x78: {  	_ =	shalt  }
0x79: {  	_ =	shalt  }
0x7a: {  	_ =	shalt  }
0x7b: {  	_ =	shalt  }
0x7c: {  	_ =	shalt  }
0x7d: {  	_ =	shalt  }
0x7e: {  	_ =	shalt  }
0x7f: {  	_ =	shalt  }
0x80: {  	_ =	shalt  }
0x81: {  	_ =	shalt  }
0x82: {  	_ =	shalt  }
0x83: {  	_ =	shalt  }
0x84: {  	_ =	shalt  }
0x85: {  	_ =	shalt  }
0x86: {  	_ =	shalt  }
0x87: {  	_ =	shalt  }
.Lfunc_end0:
.L_simem_size_0:
called_computation.2_lowered:
.L_overlay_start_0:
0x88: {  	s2 =	sld [smem:$0x3FD9]  }
0x89: {  	s3 =	sld [smem:$0x3FFE];
	_ =	sdelay $0x1  }
0x8a: {  	s1 =	srdreg.scid  }
0x8b: {  	s0 =	sand.u32 $0x1, s1  }
0x8c: {  	s17 =	sshll.u32 s0, $0xA;
	s2 =	sadd.s32 s3, s2  }
0x8d: {  	s2 =	sadd.s32 s2, s17  }
0x8e: {  	[smem:$0x3FBC] =	sst s2  }
0x8f: {  	_ = 	snop  }
0x90: {  	s2 =	sld [smem:$0x3FD0];
	(tm) =	ssettm $0x1  }
0x91: {  	s18 =	sld [smem:$0x3FFB];
	_ =	sdelay $0x3  }
0x92: {  	_ =	strace s18  }
0x93: {  	s3 =	sld [smem:$0x3FFC];
	_ =	sdelay $0x3  }
0x94: {  	_ =	strace s3  }
0x95: {  	s3 =	sld [smem:$0x3FFD];
	_ =	sdelay $0x3  }
0x96: {  	_ =	strace s3  }
0x97: {  	_ =	strace $0x8FFFFFFF  }
0x98: {  	s19 =	sld [smem:$0x3FDB];
	_ =	sdelay $0x1  }
0x99: {  	s4 =	simm.s32 $_scs_section_size  }
0x9a: {  	s5 =	simm.s32 $_size__tile_overlayer_lowered;
	s6 =	simm.s32 $_tile_overlayer_lowered  }
0x9b: {  	s22 =	simm.s32 $0x1BFF;
	s21 =	sshll.u32 s6, $0x1;
	s3 =	sadd.s32 s4, s19  }
0x9c: {  	s7 =	simm.s32 $0x0;
	s20 =	sshll.u32 s5, $0x1;
	s5 =	sadd.s32 s21, s3  }
0x9d: {  	[timem:s7], [sflag:s22] =	dma.local [hbm:s5], s20  }
0x9e: {  	_ =	swait.ge [sflag:s22], s20  }
0x9f: {  	s4 =	ssub.s32 $0x0, s20;
	[sflag:s22] =	ssyncset.done $0x0  }
0xa0: {  	[sflag:s22] =	ssyncadd.s32 s4;
	_ =	sdelay $0x1  }
0xa1: {  	s23 =	simm.s32 $0x1B8B  }
0xa2: {  	_ =	swait.ge [sflag:s23], $0x1  }
0xa3: {  	[sflag:s23] =	ssyncset.done $0x0  }
0xa4: {  	s25 =	simm.s32 $0x1B8E;
	s24 =	sld [smem:$0x3FFE];
	[sflag:s23] =	ssyncadd.s32 $0xFFFFFFFF  }
0xa5: {  	s26 =	simm.s32 $execute0_lowered;
	[smem:$0x3FD2] =	sst s25  }
0xa6: {  	s5 =	sshll.u32 s26, $0x1;
	_ =	strace $0x8000004C;
	[dreg:$0x1] =	wrdreg $0xFFFFFFFF  }
0xa7: {  	s28 =	simm.s32 $_size_execute0_lowered;
	s3 =	sadd.s32 s3, s5;
	[dreg:$0x0] =	wrdreg $0x0  }
0xa8: {  	s5 =	sshll.u32 s28, $0x1;
	[dreg:$0x2] =	wrdreg s3  }
0xa9: {  	[dreg:$0x3] =	wrdreg s5  }
0xaa: {  	[dreg:$0x4] =	wrdreg $0xC0  }
0xab: {  	_ =	task [dreg:s7], $0x5FFFF  }
0xac: {  	[dreg:$0x1] =	wrdreg $0xFFFFFFFF  }
0xad: {  	[dreg:$0x0] =	wrdreg $0x60  }
0xae: {  	[dreg:$0x2] =	wrdreg s24  }
0xaf: {  	[dreg:$0x3] =	wrdreg s2  }
0xb0: {  	[dreg:$0x4] =	wrdreg $0xCF000  }
0xb1: {  	[dreg:$0x5] =	wrdreg $0x9  }
0xb2: {  	_ =	task.clear_ibuf [dreg:s7], $0x6FFFF;
	_ =	strace $0x9000004C  }
0xb3: {  	s29 =	simm.s32 $0x9;
	_ =	strace $0x8000004E  }
0xb4: {  	_ =	swait.ge [sflag:s29], $0x1  }
0xb5: {  	[sflag:s29] =	ssyncadd.s32 $0xFFFFFFFF  }
0xb6: {  	_ =	strace $0x9000004E  }
0xb7: {  	_ =	sfence  }
0xb8: {  	s30 =	sld [smem:$0x0];
	_ =	sdelay $0x2  }
0xb9: {  	s31 =	sshll.u32 s1, $0xD;
	s1 =	sshrl.u32 s1, $0x2  }
0xba: {  	s3 =	sand.u32 $0x4000, s31;
	s1 =	sadd.s32 s1, s30  }
0xbb: {  	s0 =	sor.u32 s3, s0;
	s1 =	sshll.u32 s1, $0x11  }
0xbc: {  	s0 =	sor.u32 s1, s0  }
0xbd: {  	s0 =	sadd.s32 $0x8F2B, s0  }
0xbe: {  	[sflag:s0] =	ssyncadd.remote.s32 $0x1  }
0xbf: {  	_ =	sfence.sel $0xFFFF  }
0xc0: {  	[dreg:$0x0] =	wrdreg $0xFFFFFFFF;
	(pc) =	sbr.abs _section_cstart, $3  }
0xc1: {  	[dreg:$0x1] =	wrdreg $0xFFFFFFFF  }
0xc2: {  	_ =	task.clear_ibuf [dreg:s7], $0x2FFFF;
	_ =	strace $0x9FFFFFFF  }
0xc3: {  	(tm) =	ssettm $0x7FFFFFFF  }
tec
execute0_lowered:
.L_overlay_start_1:
0x0: {  	(tag) =	ssettag $0x1  }
0x1: {  	s0 =	rddreg [dreg:$0x0]  }
0x2: {  	s1 =	rddreg [dreg:$0x1]  }
0x3: {  	s2 =	rddreg [dreg:$0x2]  }
0x4: {  	s3 =	simm.s32 $0x0;
	s17 =	stileid.u32;
	s4 =	srdreg.scid  }
0x5: {  	s13 =	simm.s32 $0x3780;
	s14 =	simm.s32 $0x80;
	s15 =	simm.s32 $0x6F00  }
0x6: {  	s16 =	simm.s32 $0x8F00;
	s18 =	simm.s32 $0xAF00;
	s19 =	simm.s32 $0x1  }
0x7: {  	s20 =	simm.s32 $0x4;
	s22 =	simm.s32 $0x2;
	s28 =	simm.s32 $0x3880  }
0x8: {  	s29 =	simm.s32 $0x6;
	s30 =	simm.s32 $0x3700;
	s5 =	smul.u32 $0xA000, s17  }
0x9: {  	s31 =	simm.s32 $0x6E80;
	[smem:$0x7FF] =	sst s3;
	s8 =	smul.u32 $0x6F, s17  }
0xa: {  	s11 =	sand.u32 $0x1, s4;
	s4 =	sadd.s32 $0x3600, s0;
	s9 =	smul.u32 $0x2D, s17  }
0xb: {  	s12 =	smin.u32 s17, $0x4;
	s26 =	sshll.u32 s17, $0x6;
	p1 =	sgt.u32 s17, $0x3  }
0xc: {  	_ =	strace $0x8000004D;
	s6 =	smul.u32 $0xA0000, s11;
	s10 =	ssub.s32 $0x2, s11  }
0xd: {  	p0 =	seq.s32 s11, $0x0;
	s7 =	sshrl.u32 s5, $0x3;
	s8 =	sadd.s32 $0x2D4, s8  }
0xe: {  	s9 =	sadd.s32 s12, s9;
	s23 =	sshrl.u32 s10, $0x1;
	s24 =	sadd.s32 s5, s2  }
0xf: {  	s12 =	simm.s32 $0x7;
	s7 =	sadd.s32 s7, s0;
	s6 =	sadd.s32 s5, s6  }
0x10: {  	s9 =	smov.u32 @p0 s8;
	s10 =	ssub.s32 s10, s23;
	p0 =	sne.s32 s11, $0x0  }
.Ltmp0:
0x11: {  	s11 =	sshrl.u32 s24, $0x3;
	s24 =	simm.s32 $0x5;
	(pc) =	sbr.rel .LBB2_1-.Ltmp0, $4  }
0x12: {  	s6 =	sshrl.u32 s6, $0x3;
	s25 =	sshll.u32 s9, $0x4;
	s5 =	sadd.s32 $0x17600, s7  }
0x13: {  	s7 =	sor.u32 $0x1C07, s26;
	s10 =	smax.u32 s10, $0x1;
	s26 =	simm.s32 $0x3  }
0x14: {  	s0 =	sadd.s32 s6, s0;
	s6 =	sadd.s32 s1, s25;
	s25 =	simm.s32 $0x200  }
0x15: {  	s8 =	sadd.s32 $0x9C40, s6;
	s9 =	sadd.s32 $0x53600, s0;
	s0 =	simm.s32 $0x0  }
.LBB2_11:
0x16: {  	s1 =	sshra.s32 s1, $0x2;
	[sflag:s12] =	ssyncadd.s32 $0xFFFFE000  }
0x17: {  	[tilespmem:s15], [sflag:$0x1] =	stream.indirect.gather [hbm4b:s4+s14], $0x40, s1, s14, $0xb8;
	[tilespmem:$0x16F00] =	vst v63  }
0x18: {  	_ =	swait.ge [sflag:s19], $0x2000  }
0x19: {  	[sflag:s19] =	ssyncset.done $0x0  }
0x1a: {  	s1 =	sadd.s32 $0x3780, s1;
	[sflag:s19] =	ssyncadd.s32 $0xFFFFE000  }
0x1b: {  	[spmem:s2] =	stream.indirect.scatter.add.f32 [tilespmem:s15], [sflag:$0x7], $0x40, s1, s14, $0xb8;
	[tilespmem:$0x16F00] =	vst v63  }
0x1c: {  	_ =	swait.ge [sflag:s12], $0x2000  }
0x1d: {  	[sflag:s12] =	ssyncset.done $0x0  }
0x1e: {  	[sflag:s12] =	ssyncadd.s32 $0xFFFFE000  }
.LBB2_12:
0x1f: {  	s0 =	sadd.s32 $0x1, s0  }
0x20: {  	p2 =	sne.s32 s0, s10  }
.Ltmp1:
0x21: {  	[bflag:$0x0] =	sbarrier.arrive $0xFFFF;
	(pc) =	sbr.rel @!p2 .LBB2_13-.Ltmp1, $4  }
0x22: {  	[hbm:s9], [sflag:s7] =	dma.local [spmem:s11], $0x1400  }
0x23: {  	_ =	swait.ge [sflag:s12], $0x1400  }
0x24: {  	[sflag:s12] =	ssyncset.done $0x0  }
0x25: {  	[sflag:s12] =	ssyncadd.s32 $0xFFFFEC00  }
.LBB2_1:
0x26: {  	[spmem:s11], [sflag:s7] =	dma.local [hbm:s5], $0x1400  }
0x27: {  	_ =	swait.ge [sflag:s12], $0x1400  }
0x28: {  	[sflag:s12] =	ssyncset.done $0x0  }
0x29: {  	[sflag:s12] =	ssyncadd.s32 $0xFFFFEC00  }
0x2a: {  	[tilespmem:s3], [sflag:$0x7] =	stream.linear.gather [hbm4b:s6+s3], $0x3780, $0x38;
	[tilespmem:$0x16F00] =	vst v63  }
0x2b: {  	_ =	swait.ge [sflag:s12], $0x3780  }
0x2c: {  	[sflag:s12] =	ssyncset.done $0x0  }
0x2d: {  	[sflag:s12] =	ssyncadd.s32 $0xFFFFC880  }
0x2e: {  	[tilespmem:s13], [sflag:$0x7] =	stream.linear.gather [hbm4b:s8+s3], $0x3780, $0x38;
	[tilespmem:$0x16F00] =	vst v63  }
.Ltmp2:
0x2f: {  	_ =	swait.ge [sflag:s12], $0x3780;
	(pc) =	sbr.rel @p0 .LBB2_5-.Ltmp2, $4  }
0x30: {  	[sflag:s12] =	ssyncset.done $0x0  }
0x31: {  	[sflag:s12] =	ssyncadd.s32 $0xFFFFC880  }
0x32: {  	[bflag:$0x0] =	sbarrier.arrive $0xFFFF  }
0x33: {  	s1 =	simm.s32 $0x0  }
0x34: {  	[tilespmem:s15], [sflag:$0x1] =	stream.indirect.gather [hbm4b:s4+s14], $0x40, s1, s14, $0xb8;
	[tilespmem:$0x16F00] =	vst v63  }
0x35: {  	_ = 	snop  }
0x36: {  	[tilespmem:s16], [sflag:$0x2] =	stream.indirect.gather [hbm4b:s4+s14], $0x40, s14, s14, $0xb8;
	[tilespmem:$0x16F00] =	vst v63  }
0x37: {  	s21 =	simm.s32 $0x100  }
0x38: {  	[tilespmem:s18], [sflag:$0x3] =	stream.indirect.gather [hbm4b:s4+s14], $0x40, s21, s14, $0xb8;
	[tilespmem:$0x16F00] =	vst v63  }
0x39: {  	_ =	swait.ge [sflag:s19], $0x2000  }
0x3a: {  	[sflag:s19] =	ssyncset.done $0x0  }
0x3b: {  	[sflag:s19] =	ssyncadd.s32 $0xFFFFE000  }
0x3c: {  	[spmem:s2] =	stream.indirect.scatter.add.f32 [tilespmem:s15], [sflag:$0x4], $0x40, s13, s14, $0xb8;
	[tilespmem:$0x16F00] =	vst v63  }
0x3d: {  	_ =	swait.ge [sflag:s20], $0x2000  }
0x3e: {  	[sflag:s20] =	ssyncset.done $0x0  }
0x3f: {  	s23 =	simm.s32 $0x180;
	[sflag:s20] =	ssyncadd.s32 $0xFFFFE000  }
0x40: {  	[tilespmem:s15], [sflag:$0x1] =	stream.indirect.gather [hbm4b:s4+s14], $0x40, s23, s14, $0xb8;
	[tilespmem:$0x16F00] =	vst v63  }
0x41: {  	_ =	swait.ge [sflag:s22], $0x2000  }
0x42: {  	[sflag:s22] =	ssyncset.done $0x0  }
0x43: {  	s17 =	simm.s32 $0x3800;
	[sflag:s22] =	ssyncadd.s32 $0xFFFFE000  }
0x44: {  	[spmem:s2] =	stream.indirect.scatter.add.f32 [tilespmem:s16], [sflag:$0x5], $0x40, s17, s14, $0xb8;
	[tilespmem:$0x16F00] =	vst v63  }
0x45: {  	_ =	swait.ge [sflag:s24], $0x2000  }
0x46: {  	[sflag:s24] =	ssyncset.done $0x0  }
0x47: {  	[sflag:s24] =	ssyncadd.s32 $0xFFFFE000  }
0x48: {  	[tilespmem:s16], [sflag:$0x2] =	stream.indirect.gather [hbm4b:s4+s14], $0x40, s25, s14, $0xb8;
	[tilespmem:$0x16F00] =	vst v63  }
0x49: {  	_ =	swait.ge [sflag:s26], $0x2000  }
0x4a: {  	[sflag:s26] =	ssyncset.done $0x0  }
0x4b: {  	[sflag:s26] =	ssyncadd.s32 $0xFFFFE000  }
0x4c: {  	[spmem:s2] =	stream.indirect.scatter.add.f32 [tilespmem:s18], [sflag:$0x6], $0x40, s28, s14, $0xb8;
	[tilespmem:$0x16F00] =	vst v63  }
0x4d: {  	_ =	swait.ge [sflag:s29], $0x2000  }
0x4e: {  	[sflag:s29] =	ssyncset.done $0x0  }
0x4f: {  	s21 =	simm.s32 $0x280;
	[sflag:s29] =	ssyncadd.s32 $0xFFFFE000  }
0x50: {  	[tilespmem:s18], [sflag:$0x3] =	stream.indirect.gather [hbm4b:s4+s14], $0x40, s21, s14, $0xb8;
	[tilespmem:$0x16F00] =	vst v63  }
0x51: {  	_ =	swait.ge [sflag:s19], $0x2000  }
0x52: {  	[sflag:s19] =	ssyncset.done $0x0  }
0x53: {  	s23 =	simm.s32 $0x3900;
	[sflag:s19] =	ssyncadd.s32 $0xFFFFE000  }
0x54: {  	[spmem:s2] =	stream.indirect.scatter.add.f32 [tilespmem:s15], [sflag:$0x4], $0x40, s23, s14, $0xb8;
	[tilespmem:$0x16F00] =	vst v63  }
0x55: {  	_ =	swait.ge [sflag:s20], $0x2000  }
0x56: {  	[sflag:s20] =	ssyncset.done $0x0  }
0x57: {  	s17 =	simm.s32 $0x300;
	[sflag:s20] =	ssyncadd.s32 $0xFFFFE000  }
0x58: {  	[tilespmem:s15], [sflag:$0x1] =	stream.indirect.gather [hbm4b:s4+s14], $0x40, s17, s14, $0xb8;
	[tilespmem:$0x16F00] =	vst v63  }
0x59: {  	_ =	swait.ge [sflag:s22], $0x2000  }
0x5a: {  	[sflag:s22] =	ssyncset.done $0x0  }
0x5b: {  	s21 =	simm.s32 $0x3980;
	[sflag:s22] =	ssyncadd.s32 $0xFFFFE000  }
0x5c: {  	[spmem:s2] =	stream.indirect.scatter.add.f32 [tilespmem:s16], [sflag:$0x5], $0x40, s21, s14, $0xb8;
	[tilespmem:$0x16F00] =	vst v63  }
0x5d: {  	_ =	swait.ge [sflag:s24], $0x2000  }
0x5e: {  	[sflag:s24] =	ssyncset.done $0x0  }
0x5f: {  	s23 =	simm.s32 $0x380;
	[sflag:s24] =	ssyncadd.s32 $0xFFFFE000  }
0x60: {  	[tilespmem:s16], [sflag:$0x2] =	stream.indirect.gather [hbm4b:s4+s14], $0x40, s23, s14, $0xb8;
	[tilespmem:$0x16F00] =	vst v63  }
0x61: {  	_ =	swait.ge [sflag:s26], $0x2000  }
0x62: {  	[sflag:s26] =	ssyncset.done $0x0  }
0x63: {  	s1 =	simm.s32 $0x600;
	s17 =	simm.s32 $0x3A00;
	[sflag:s26] =	ssyncadd.s32 $0xFFFFE000  }
.LBB2_3:
0x64: {  	[spmem:s2] =	stream.indirect.scatter.add.f32 [tilespmem:s18], [sflag:$0x6], $0x40, s17, s14, $0xb8;
	[tilespmem:$0x16F00] =	vst v63  }
0x65: {  	s17 =	smov.u32 s1;
	s1 =	sadd.s32 $0x600, s1;
	_ =	swait.ge [sflag:s29], $0x2000  }
0x66: {  	s17 =	sshra.s32 s17, $0x2;
	p2 =	sne.s32 s1, $0xD200;
	[sflag:s29] =	ssyncset.done $0x0  }
0x67: {  	s21 =	sadd.s32 $0x280, s17;
	[sflag:s29] =	ssyncadd.s32 $0xFFFFE000  }
0x68: {  	[tilespmem:s18], [sflag:$0x3] =	stream.indirect.gather [hbm4b:s4+s14], $0x40, s21, s14, $0xb8;
	[tilespmem:$0x16F00] =	vst v63  }
0x69: {  	_ =	swait.ge [sflag:s19], $0x2000  }
0x6a: {  	[sflag:s19] =	ssyncset.done $0x0  }
0x6b: {  	s21 =	sadd.s32 $0x3900, s17;
	[sflag:s19] =	ssyncadd.s32 $0xFFFFE000  }
0x6c: {  	[spmem:s2] =	stream.indirect.scatter.add.f32 [tilespmem:s15], [sflag:$0x4], $0x40, s21, s14, $0xb8;
	[tilespmem:$0x16F00] =	vst v63  }
0x6d: {  	_ =	swait.ge [sflag:s20], $0x2000  }
0x6e: {  	[sflag:s20] =	ssyncset.done $0x0  }
0x6f: {  	s21 =	sadd.s32 $0x300, s17;
	[sflag:s20] =	ssyncadd.s32 $0xFFFFE000  }
0x70: {  	[tilespmem:s15], [sflag:$0x1] =	stream.indirect.gather [hbm4b:s4+s14], $0x40, s21, s14, $0xb8;
	[tilespmem:$0x16F00] =	vst v63  }
0x71: {  	_ =	swait.ge [sflag:s22], $0x2000  }
0x72: {  	[sflag:s22] =	ssyncset.done $0x0  }
0x73: {  	s21 =	sadd.s32 $0x3980, s17;
	[sflag:s22] =	ssyncadd.s32 $0xFFFFE000  }
0x74: {  	[spmem:s2] =	stream.indirect.scatter.add.f32 [tilespmem:s16], [sflag:$0x5], $0x40, s21, s14, $0xb8;
	[tilespmem:$0x16F00] =	vst v63  }
0x75: {  	_ =	swait.ge [sflag:s24], $0x2000  }
0x76: {  	[sflag:s24] =	ssyncset.done $0x0  }
.Ltmp3:
0x77: {  	s21 =	sadd.s32 $0x380, s17;
	[sflag:s24] =	ssyncadd.s32 $0xFFFFE000;
	(pc) =	sbr.rel @p2 .LBB2_3-.Ltmp3, $4  }
0x78: {  	[tilespmem:s16], [sflag:$0x2] =	stream.indirect.gather [hbm4b:s4+s14], $0x40, s21, s14, $0xb8;
	[tilespmem:$0x16F00] =	vst v63  }
0x79: {  	_ =	swait.ge [sflag:s26], $0x2000  }
0x7a: {  	[sflag:s26] =	ssyncset.done $0x0  }
0x7b: {  	s17 =	sadd.s32 $0x3A00, s17;
	[sflag:s26] =	ssyncadd.s32 $0xFFFFE000  }
0x7c: {  	[spmem:s2] =	stream.indirect.scatter.add.f32 [tilespmem:s18], [sflag:$0x6], $0x40, s17, s14, $0xb8;
	[tilespmem:$0x16F00] =	vst v63  }
0x7d: {  	_ =	swait.ge [sflag:s29], $0x2000  }
0x7e: {  	[sflag:s29] =	ssyncset.done $0x0  }
0x7f: {  	[sflag:s29] =	ssyncadd.s32 $0xFFFFE000  }
0x80: {  	[tilespmem:s18], [sflag:$0x3] =	stream.indirect.gather [hbm4b:s4+s14], $0x40, s30, s14, $0xb8;
	[tilespmem:$0x16F00] =	vst v63  }
0x81: {  	_ =	swait.ge [sflag:s19], $0x2000  }
0x82: {  	s1 =	sshra.s32 s1, $0x2;
	[sflag:s19] =	ssyncset.done $0x0  }
0x83: {  	s23 =	sadd.s32 $0x3900, s1;
	[sflag:s19] =	ssyncadd.s32 $0xFFFFE000  }
0x84: {  	[spmem:s2] =	stream.indirect.scatter.add.f32 [tilespmem:s15], [sflag:$0x4], $0x40, s23, s14, $0xb8;
	[tilespmem:$0x16F00] =	vst v63  }
0x85: {  	_ =	swait.ge [sflag:s20], $0x2000  }
0x86: {  	[sflag:s20] =	ssyncset.done $0x0  }
0x87: {  	[sflag:s20] =	ssyncadd.s32 $0xFFFFE000  }
0x88: {  	_ =	swait.ge [sflag:s22], $0x2000  }
0x89: {  	[sflag:s22] =	ssyncset.done $0x0  }
0x8a: {  	s1 =	sadd.s32 $0x3980, s1;
	[sflag:s22] =	ssyncadd.s32 $0xFFFFE000  }
0x8b: {  	[spmem:s2] =	stream.indirect.scatter.add.f32 [tilespmem:s16], [sflag:$0x5], $0x40, s1, s14, $0xb8;
	[tilespmem:$0x16F00] =	vst v63  }
0x8c: {  	_ =	swait.ge [sflag:s24], $0x2000  }
0x8d: {  	[sflag:s24] =	ssyncset.done $0x0  }
0x8e: {  	[sflag:s24] =	ssyncadd.s32 $0xFFFFE000  }
0x8f: {  	_ =	swait.ge [sflag:s26], $0x2000  }
0x90: {  	[sflag:s26] =	ssyncset.done $0x0  }
.Ltmp4:
0x91: {  	[sflag:s26] =	ssyncadd.s32 $0xFFFFE000;
	(pc) =	sbr.rel .LBB2_12-.Ltmp4, $4  }
0x92: {  	[spmem:s2] =	stream.indirect.scatter.add.f32 [tilespmem:s18], [sflag:$0x6], $0x40, s31, s14, $0xb8;
	[tilespmem:$0x16F00] =	vst v63  }
0x93: {  	_ =	swait.ge [sflag:s29], $0x2000  }
0x94: {  	[sflag:s29] =	ssyncset.done $0x0  }
0x95: {  	[sflag:s29] =	ssyncadd.s32 $0xFFFFE000  }
.LBB2_5:
.Ltmp5:
0x96: {  	(pc) =	sbr.rel @p1 .LBB2_9-.Ltmp5, $1  }
0x97: {  	_ =	sdelay $0x3  }
0x98: {  	[tilespmem:s15], [sflag:$0x1] =	stream.indirect.gather [hbm4b:s4+s14], $0x40, s1, s14, $0xb8;
	[tilespmem:$0x16F00] =	vst v63  }
0x99: {  	_ =	swait.ge [sflag:s19], $0x2000  }
0x9a: {  	[sflag:s19] =	ssyncset.done $0x0  }
0x9b: {  	s23 =	simm.s32 $0x3780;
	[sflag:s19] =	ssyncadd.s32 $0xFFFFE000  }
0x9c: {  	[spmem:s2] =	stream.indirect.scatter.add.f32 [tilespmem:s15], [sflag:$0x7], $0x40, s23, s14, $0xb8;
	[tilespmem:$0x16F00] =	vst v63  }
0x9d: {  	_ =	swait.ge [sflag:s12], $0x2000  }
0x9e: {  	s1 =	simm.s32 $0x200;
	s17 =	simm.s32 $0x400;
	[sflag:s12] =	ssyncset.done $0x0  }
.LBB2_7:
0x9f: {  	s21 =	sshra.s32 s1, $0x2  }
0xa0: {  	[sflag:s12] =	ssyncadd.s32 $0xFFFFE000;
	s1 =	smov.u32 s17;
	s23 =	sadd.s32 $0x200, s17  }
0xa1: {  	[tilespmem:s15], [sflag:$0x1] =	stream.indirect.gather [hbm4b:s4+s14], $0x40, s21, s14, $0xb8;
	[tilespmem:$0x16F00] =	vst v63  }
0xa2: {  	p2 =	seq.s32 s17, $0x5A00;
	_ =	swait.ge [sflag:s19], $0x2000  }
.Ltmp6:
0xa3: {  	[sflag:s19] =	ssyncset.done $0x0;
	(pc) =	sbr.rel @!p2 .LBB2_7-.Ltmp6, $4  }
0xa4: {  	s17 =	sadd.s32 $0x3780, s21;
	[sflag:s19] =	ssyncadd.s32 $0xFFFFE000  }
0xa5: {  	[spmem:s2] =	stream.indirect.scatter.add.f32 [tilespmem:s15], [sflag:$0x7], $0x40, s17, s14, $0xb8;
	[tilespmem:$0x16F00] =	vst v63  }
0xa6: {  	_ =	swait.ge [sflag:s12], $0x2000  }
0xa7: {  	s17 =	smov.u32 s23;
	[sflag:s12] =	ssyncset.done $0x0  }
0xa8: {  	s1 =	sshra.s32 s1, $0x2;
	[sflag:s12] =	ssyncadd.s32 $0xFFFFE000  }
0xa9: {  	[tilespmem:s15], [sflag:$0x1] =	stream.indirect.gather [hbm4b:s4+s14], $0x40, s1, s14, $0xb8;
	[tilespmem:$0x16F00] =	vst v63  }
0xaa: {  	_ =	swait.ge [sflag:s19], $0x2000  }
0xab: {  	[sflag:s19] =	ssyncset.done $0x0  }
.Ltmp7:
0xac: {  	s1 =	sadd.s32 $0x3780, s1;
	[sflag:s19] =	ssyncadd.s32 $0xFFFFE000;
	(pc) =	sbr.rel .LBB2_12-.Ltmp7, $4  }
0xad: {  	[spmem:s2] =	stream.indirect.scatter.add.f32 [tilespmem:s15], [sflag:$0x7], $0x40, s1, s14, $0xb8;
	[tilespmem:$0x16F00] =	vst v63  }
0xae: {  	_ =	swait.ge [sflag:s12], $0x2000  }
0xaf: {  	[sflag:s12] =	ssyncset.done $0x0  }
0xb0: {  	[sflag:s12] =	ssyncadd.s32 $0xFFFFE000  }
.LBB2_9:
0xb1: {  	[tilespmem:s15], [sflag:$0x1] =	stream.indirect.gather [hbm4b:s4+s14], $0x40, s1, s14, $0xb8;
	[tilespmem:$0x16F00] =	vst v63  }
0xb2: {  	_ =	swait.ge [sflag:s19], $0x2000  }
0xb3: {  	[sflag:s19] =	ssyncset.done $0x0  }
0xb4: {  	s23 =	simm.s32 $0x3780;
	[sflag:s19] =	ssyncadd.s32 $0xFFFFE000  }
0xb5: {  	[spmem:s2] =	stream.indirect.scatter.add.f32 [tilespmem:s15], [sflag:$0x7], $0x40, s23, s14, $0xb8;
	[tilespmem:$0x16F00] =	vst v63  }
0xb6: {  	_ =	swait.ge [sflag:s12], $0x2000  }
0xb7: {  	s1 =	simm.s32 $0x200;
	s17 =	simm.s32 $0x400;
	[sflag:s12] =	ssyncset.done $0x0  }
.LBB2_10:
0xb8: {  	s21 =	sshra.s32 s1, $0x2  }
0xb9: {  	[sflag:s12] =	ssyncadd.s32 $0xFFFFE000;
	s1 =	smov.u32 s17;
	s23 =	sadd.s32 $0x200, s17  }
0xba: {  	[tilespmem:s15], [sflag:$0x1] =	stream.indirect.gather [hbm4b:s4+s14], $0x40, s21, s14, $0xb8;
	[tilespmem:$0x16F00] =	vst v63  }
0xbb: {  	p2 =	sne.s32 s17, $0x5800;
	_ =	swait.ge [sflag:s19], $0x2000  }
.Ltmp8:
0xbc: {  	[sflag:s19] =	ssyncset.done $0x0;
	(pc) =	sbr.rel @p2 .LBB2_10-.Ltmp8, $4  }
0xbd: {  	s17 =	sadd.s32 $0x3780, s21;
	[sflag:s19] =	ssyncadd.s32 $0xFFFFE000  }
0xbe: {  	[spmem:s2] =	stream.indirect.scatter.add.f32 [tilespmem:s15], [sflag:$0x7], $0x40, s17, s14, $0xb8;
	[tilespmem:$0x16F00] =	vst v63  }
0xbf: {  	_ =	swait.ge [sflag:s12], $0x2000  }
0xc0: {  	s17 =	smov.u32 s23;
	[sflag:s12] =	ssyncset.done $0x0  }
.Ltmp9:
0xc1: {  	_ = 	snop;
	(pc) =	sbr.rel .LBB2_11-.Ltmp9, $1  }
0xc2: {  	_ =	sdelay $0x3  }
.LBB2_13:
0xc3: {  	_ =	sfence.sel $0x180000  }
0xc4: {  	[bflag:$0x0] =	sbarrier.arrive $0xFFFF  }
0xc5: {  	_ =	strace $0x9000004D  }
0xc6: {  	s0 =	stileid.u32;
	[bflag:$0x2] =	sbarrier.arrive $0xFFFF  }
0xc7: {  	p0 =	sne.s32 s0, $0x0;
	s0 =	rddreg [dreg:$0x3]  }
0xc8: {  	s0 =	sadd.s32 @!p0 $0x100000, s0  }
0xc9: {  	[sflag:s0] =	ssyncadd.tile.s32 @!p0 $0x1;
	_ =	shalt  }
.Lfunc_end2:
_tile_overlayer_lowered:
.L_overlay_start_2:
0xca: {  	(tag) =	ssettag $0x2  }
0xcb: {  	s0 =	rddreg [dreg:$0x0];
	s2 =	stileid.u32  }
0xcc: {  	s1 =	rddreg [dreg:$0x1];
	p0 =	sne.s32 s2, $0x0  }
0xcd: {  	s3 =	rddreg [dreg:$0x2];
	[bflag:$0x3] =	sbarrier.arrive $0xFFFF;
	s2 =	simm.s32 @!p0 $0x1C07  }
0xce: {  	[timem:s3], [sflag:s2] =	dma.local @!p0 [hbm:s0], s1  }
0xcf: {  	s0 =	simm.s32 @!p0 $0x7  }
0xd0: {  	_ =	swait.ge @!p0 [sflag:s0], s1  }
0xd1: {  	s1 =	ssub.s32 @!p0 $0x0, s1;
	[sflag:s0] =	ssyncset.done @!p0 $0x0  }
0xd2: {  	[sflag:s0] =	ssyncadd.s32 @!p0 s1  }
0xd3: {  	[bflag:$0x3] =	sbarrier.arrive $0xFFFF  }
0xd4: {  	_ =	shalt  }

// kernel: kernel.8.cloned.1.call-start
scs
__scs_entry_jumppad:
0x0: {  	(pc) =	sbr.rel $0x88, $3  }
0x1: {  	(tag) =	ssettag $0x0;
	lr =	simm.s32 $0x1  }
0x2: {  	[smem:$0x3F95] =	sst lr;
	_ =	strace $0xD0000000  }
0x3: {  	_ = 	snop  }
0x4: {  	_ = 	snop  }
0x5: {  	_ = 	snop  }
0x6: {  	_ = 	snop  }
0x7: {  	_ = 	snop  }
__scs_overlays_trampoline_lowered:
0x8: {  	[smem:$0x3FA4] =	sst s0  }
0x9: {  	[smem:$0x3FA5] =	sst s1  }
0xa: {  	[smem:$0x3FA6] =	sst s2  }
0xb: {  	[smem:$0x3FA7] =	sst s3  }
0xc: {  	[smem:$0x3FA8] =	sst s4  }
0xd: {  	[smem:$0x3FA9] =	sst s5  }
0xe: {  	[smem:$0x3FAA] =	sst s6  }
0xf: {  	[smem:$0x3FAB] =	sst s7  }
0x10: {  	[smem:$0x3FAC] =	sst s8  }
0x11: {  	[smem:$0x3FAD] =	sst s9;
	s0 =	simm.s32 @!p0 $0x0  }
0x12: {  	s1 =	sld [smem:$0x3F93];
	s0 =	simm.s32 @p0 $0x1  }
0x13: {  	[smem:$0x3FAE] =	sst s0;
	s0 =	simm.s32 @!p1 $0x0  }
0x14: {  	s2 =	sld [smem:$0x3F92];
	s0 =	simm.s32 @p1 $0x1  }
0x15: {  	[smem:$0x3FAF] =	sst s0;
	s0 =	simm.s32 @!p2 $0x0  }
0x16: {  	s3 =	sld [smem:$0x3FDB];
	s0 =	simm.s32 @p2 $0x1  }
0x17: {  	s4 =	simm.s32 $0x1BF5;
	[smem:$0x3FB1] =	sst s0  }
0x18: {  	s0 =	sld [smem:$0x3F94];
	_ =	swait.ge [sflag:s4], $0x0  }
0x19: {  	s7 =	sld [smem:$0x3F95]  }
0x1a: {  	s8 =	sadd.s32 $0xFFFFE003, lr  }
0x1b: {  	s9 =	sadd.s32 $0xFFFFFEF7, lr;
	s5 =	simm.s32 $0xFFFFFFFF;
	p2 =	slt.u32 s8, $0xFFFFF086  }
0x1c: {  	p1 =	slt.u32 s9, $0xF7A;
	s5 =	simm.s32 @!p2 $0x0  }
0x1d: {  	s5 =	simm.s32 @p1 $0x1;
	p0 =	seq.s32 s7, s2  }
0x1e: {  	s7 =	smul.u32 @!p0 $0xF7A, s2;
	p2 =	seq.s32 @!p0 s5, $0x0  }
0x1f: {  	s9 =	smul.u32 $0xF7A, s1;
	s8 =	simm.s32 @!p0 $0x1BF5;
	p2 =	por !p2, p0  }
0x20: {  	[sflag:s8] =	ssyncset.s32 @!p0 $0xFFFFF086;
	s6 =	sadd.s32 @!p0 s3, s7;
	s7 =	simm.s32 @!p0 $0x108  }
0x21: {  	s3 =	sadd.s32 s3, s9;
	s6 =	sadd.s32 @!p0 $0x88, s6;
	s7 =	simm.s32 @p2 $0x1082  }
0x22: {  	[simem:s7], [sflag:s8] =	dma.local @!p0 [hbm:s6], $0xF7A  }
0x23: {  	s9 =	sor.u32 $0xD0000000, s2;
	s6 =	simm.s32 $0x108;
	_ =	swait.ge @!p0 [sflag:s8], $0x0  }
0x24: {  	s3 =	sadd.s32 $0x88, s3;
	s6 =	simm.s32 @!p1 $0x1082;
	[sflag:s4] =	ssyncset.s32 $0xFFFFF086  }
0x25: {  	[simem:s6], [sflag:s4] =	dma.local [hbm:s3], $0xF7A  }
0x26: {  	[smem:$0x3F95] =	sst s1;
	(tag) =	ssettag s2;
	_ =	strace s9  }
0x27: {  	s1 =	sld [smem:$0x3FA5]  }
0x28: {  	s2 =	sld [smem:$0x3FA6]  }
0x29: {  	s4 =	sld [smem:$0x3FA8]  }
0x2a: {  	p0 =	seq.s32 s5, $0x0;
	s5 =	sld [smem:$0x3FA9]  }
0x2b: {  	s6 =	sld [smem:$0x3FAA]  }
0x2c: {  	s7 =	sld [smem:$0x3FAB]  }
0x2d: {  	s3 =	simm.s32 $0x108;
	s8 =	sld [smem:$0x3FAC]  }
0x2e: {  	s3 =	simm.s32 @!p0 $0x1082;
	s9 =	sld [smem:$0x3FAD]  }
0x2f: {  	lr =	sadd.s32 s0, s3;
	s0 =	sld [smem:$0x3FA4]  }
0x30: {  	s3 =	sld [smem:$0x3FA7]  }
0x31: {  	[smem:$0x3FB0] =	sst s10  }
0x32: {  	s10 =	sld [smem:$0x3FAE];
	_ =	sdelay $0x3  }
0x33: {  	p0 =	seq.s32 s10, $0x1;
	s10 =	sld [smem:$0x3FB0];
	_ =	sdelay $0x3  }
0x34: {  	[smem:$0x3FB0] =	sst s10  }
0x35: {  	s10 =	sld [smem:$0x3FAF];
	_ =	sdelay $0x3  }
0x36: {  	p1 =	seq.s32 s10, $0x1;
	s10 =	sld [smem:$0x3FB0];
	_ =	sdelay $0x3  }
0x37: {  	[smem:$0x3FB0] =	sst s10  }
0x38: {  	s10 =	sld [smem:$0x3FB1]  }
0x39: {  	_ = 	snop;
	(pc) =	sbr.ind lr, $3  }
0x3a: {  	_ = 	snop  }
0x3b: {  	_ = 	snop  }
0x3c: {  	p2 =	seq.s32 s10, $0x1;
	s10 =	sld [smem:$0x3FB0]  }
0x3d: {  	_ =	shalt  }
0x3e: {  	_ =	shalt  }
0x3f: {  	_ =	shalt  }
0x40: {  	_ =	shalt  }
0x41: {  	_ =	shalt  }
0x42: {  	_ =	shalt  }
0x43: {  	_ =	shalt  }
0x44: {  	_ =	shalt  }
0x45: {  	_ =	shalt  }
0x46: {  	_ =	shalt  }
0x47: {  	_ =	shalt  }
0x48: {  	_ =	shalt  }
0x49: {  	_ =	shalt  }
0x4a: {  	_ =	shalt  }
0x4b: {  	_ =	shalt  }
0x4c: {  	_ =	shalt  }
0x4d: {  	_ =	shalt  }
0x4e: {  	_ =	shalt  }
0x4f: {  	_ =	shalt  }
0x50: {  	_ =	shalt  }
0x51: {  	_ =	shalt  }
0x52: {  	_ =	shalt  }
0x53: {  	_ =	shalt  }
0x54: {  	_ =	shalt  }
0x55: {  	_ =	shalt  }
0x56: {  	_ =	shalt  }
0x57: {  	_ =	shalt  }
0x58: {  	_ =	shalt  }
0x59: {  	_ =	shalt  }
0x5a: {  	_ =	shalt  }
0x5b: {  	_ =	shalt  }
0x5c: {  	_ =	shalt  }
0x5d: {  	_ =	shalt  }
0x5e: {  	_ =	shalt  }
0x5f: {  	_ =	shalt  }
0x60: {  	_ =	shalt  }
0x61: {  	_ =	shalt  }
0x62: {  	_ =	shalt  }
0x63: {  	_ =	shalt  }
0x64: {  	_ =	shalt  }
0x65: {  	_ =	shalt  }
0x66: {  	_ =	shalt  }
0x67: {  	_ =	shalt  }
0x68: {  	_ =	shalt  }
0x69: {  	_ =	shalt  }
0x6a: {  	_ =	shalt  }
0x6b: {  	_ =	shalt  }
0x6c: {  	_ =	shalt  }
0x6d: {  	_ =	shalt  }
0x6e: {  	_ =	shalt  }
0x6f: {  	_ =	shalt  }
0x70: {  	_ =	shalt  }
0x71: {  	_ =	shalt  }
0x72: {  	_ =	shalt  }
0x73: {  	_ =	shalt  }
0x74: {  	_ =	shalt  }
0x75: {  	_ =	shalt  }
0x76: {  	_ =	shalt  }
0x77: {  	_ =	shalt  }
0x78: {  	_ =	shalt  }
0x79: {  	_ =	shalt  }
0x7a: {  	_ =	shalt  }
0x7b: {  	_ =	shalt  }
0x7c: {  	_ =	shalt  }
0x7d: {  	_ =	shalt  }
0x7e: {  	_ =	shalt  }
0x7f: {  	_ =	shalt  }
0x80: {  	_ =	shalt  }
0x81: {  	_ =	shalt  }
0x82: {  	_ =	shalt  }
0x83: {  	_ =	shalt  }
0x84: {  	_ =	shalt  }
0x85: {  	_ =	shalt  }
0x86: {  	_ =	shalt  }
0x87: {  	_ =	shalt  }
.Lfunc_end0:
.L_simem_size_0:
called_computation_lowered:
.L_overlay_start_0:
0x88: {  	s2 =	sld [smem:$0x3FD9]  }
0x89: {  	s3 =	sld [smem:$0x3FFE];
	_ =	sdelay $0x1  }
0x8a: {  	s1 =	srdreg.scid  }
0x8b: {  	s0 =	sand.u32 $0x1, s1  }
0x8c: {  	s17 =	sshll.u32 s0, $0xA;
	s2 =	sadd.s32 s3, s2  }
0x8d: {  	s2 =	sadd.s32 s2, s17  }
0x8e: {  	[smem:$0x3FBC] =	sst s2  }
0x8f: {  	_ = 	snop  }
0x90: {  	s2 =	sld [smem:$0x3FD0];
	(tm) =	ssettm $0x1  }
0x91: {  	s18 =	sld [smem:$0x3FFB];
	_ =	sdelay $0x3  }
0x92: {  	_ =	strace s18  }
0x93: {  	s3 =	sld [smem:$0x3FFC];
	_ =	sdelay $0x3  }
0x94: {  	_ =	strace s3  }
0x95: {  	s3 =	sld [smem:$0x3FFD];
	_ =	sdelay $0x3  }
0x96: {  	_ =	strace s3  }
0x97: {  	_ =	strace $0x8FFFFFFF  }
0x98: {  	s19 =	sld [smem:$0x3FDB];
	_ =	sdelay $0x1  }
0x99: {  	s4 =	simm.s32 $_scs_section_size  }
0x9a: {  	s5 =	simm.s32 $_size__tile_overlayer_lowered;
	s6 =	simm.s32 $_tile_overlayer_lowered  }
0x9b: {  	s22 =	simm.s32 $0x1BFF;
	s21 =	sshll.u32 s6, $0x1;
	s3 =	sadd.s32 s4, s19  }
0x9c: {  	s7 =	simm.s32 $0x0;
	s20 =	sshll.u32 s5, $0x1;
	s5 =	sadd.s32 s21, s3  }
0x9d: {  	[timem:s7], [sflag:s22] =	dma.local [hbm:s5], s20  }
0x9e: {  	_ =	swait.ge [sflag:s22], s20  }
0x9f: {  	s4 =	ssub.s32 $0x0, s20;
	[sflag:s22] =	ssyncset.done $0x0  }
0xa0: {  	[sflag:s22] =	ssyncadd.s32 s4;
	_ =	sdelay $0x1  }
0xa1: {  	s23 =	simm.s32 $0x1B8B  }
0xa2: {  	_ =	swait.ge [sflag:s23], $0x1  }
0xa3: {  	[sflag:s23] =	ssyncset.done $0x0  }
0xa4: {  	s25 =	simm.s32 $0x1B8E;
	s24 =	sld [smem:$0x3FFE];
	[sflag:s23] =	ssyncadd.s32 $0xFFFFFFFF  }
0xa5: {  	s26 =	simm.s32 $execute0_lowered;
	[smem:$0x3FD2] =	sst s25  }
0xa6: {  	s5 =	sshll.u32 s26, $0x1;
	_ =	strace $0x80000046;
	[dreg:$0x1] =	wrdreg $0xFFFFFFFF  }
0xa7: {  	s28 =	simm.s32 $_size_execute0_lowered;
	s3 =	sadd.s32 s3, s5;
	[dreg:$0x0] =	wrdreg $0x0  }
0xa8: {  	s5 =	sshll.u32 s28, $0x1;
	[dreg:$0x2] =	wrdreg s3  }
0xa9: {  	[dreg:$0x3] =	wrdreg s5  }
0xaa: {  	[dreg:$0x4] =	wrdreg $0xC0  }
0xab: {  	_ =	task [dreg:s7], $0x5FFFF  }
0xac: {  	[dreg:$0x1] =	wrdreg $0xFFFFFFFF  }
0xad: {  	[dreg:$0x0] =	wrdreg $0x60  }
0xae: {  	[dreg:$0x2] =	wrdreg s2  }
0xaf: {  	[dreg:$0x3] =	wrdreg s24  }
0xb0: {  	[dreg:$0x4] =	wrdreg $0x9  }
0xb1: {  	_ =	task.clear_ibuf [dreg:s7], $0x5FFFF;
	_ =	strace $0x90000046  }
0xb2: {  	s29 =	simm.s32 $0x9;
	_ =	strace $0x80000048  }
0xb3: {  	_ =	swait.ge [sflag:s29], $0x1  }
0xb4: {  	[sflag:s29] =	ssyncadd.s32 $0xFFFFFFFF  }
0xb5: {  	_ =	strace $0x90000048  }
0xb6: {  	_ =	sfence  }
0xb7: {  	s30 =	sld [smem:$0x0];
	_ =	sdelay $0x2  }
0xb8: {  	s31 =	sshll.u32 s1, $0xD;
	s1 =	sshrl.u32 s1, $0x2  }
0xb9: {  	s3 =	sand.u32 $0x4000, s31;
	s1 =	sadd.s32 s1, s30  }
0xba: {  	s0 =	sor.u32 s3, s0;
	s1 =	sshll.u32 s1, $0x11  }
0xbb: {  	s0 =	sor.u32 s1, s0  }
0xbc: {  	s0 =	sadd.s32 $0x8F2B, s0  }
0xbd: {  	[sflag:s0] =	ssyncadd.remote.s32 $0x1  }
0xbe: {  	_ =	sfence.sel $0xFFFF  }
0xbf: {  	[dreg:$0x0] =	wrdreg $0xFFFFFFFF;
	(pc) =	sbr.abs _section_cstart, $3  }
0xc0: {  	[dreg:$0x1] =	wrdreg $0xFFFFFFFF  }
0xc1: {  	_ =	task.clear_ibuf [dreg:s7], $0x2FFFF;
	_ =	strace $0x9FFFFFFF  }
0xc2: {  	(tm) =	ssettm $0x7FFFFFFF  }
0xc3: {  	_ =	shalt  }
tec
execute0_lowered:
.L_overlay_start_1:
0x0: {  	(tag) =	ssettag $0x1  }
0x1: {  	s1 =	srdreg.scid;
	s0 =	stileid.u32  }
0x2: {  	s3 =	rddreg [dreg:$0x0];
	s4 =	sand.u32 $0x1, s1;
	s30 =	sshll.u32 s0, $0x1  }
0x3: {  	s5 =	rddreg [dreg:$0x1];
	s6 =	sor.u32 s4, s30  }
0x4: {  	s2 =	simm.s32 $0x0;
	s4 =	ssub.s32 $0x2, s4;
	s7 =	smul.u32 $0x2710, s6  }
0x5: {  	[smem:$0x7FF] =	sst s2;
	s6 =	smul.u32 $0x500, s6;
	s8 =	sshrl.u32 s4, $0x1  }
0x6: {  	s1 =	rddreg [dreg:$0x2];
	_ =	strace $0x80000047;
	s31 =	ssub.s32 s4, s8  }
0x7: {  	s8 =	simm.s32 $0x0;
	s7 =	sshrl.u32 s7, $0x3;
	s5 =	sadd.s32 s6, s5  }
0x8: {  	s6 =	simm.s32 $0x1;
	s3 =	sadd.s32 s3, s7;
	s4 =	sadd.s32 $0x3600, s5  }
0x9: {  	v0 =	vimm.f32 $0.0e+00;
	v1 =	vimm.f32 $1.000000000e+00;
	s5 =	smax.u32 s31, $0x1;
	s7 =	simm.s32 $0x2710;
	s3 =	sadd.s32 $0x9C40, s3  }
.LBB2_1:
0xa: {  	[tilespmem:s2], [sflag:$0x1] =	stream.linear.gather [hbm4b:s3+s2], $0x2710, $0x38;
	[tilespmem:$0x4F10] =	vst v63  }
0xb: {  	_ =	swait.ge [sflag:s6], $0x2710  }
0xc: {  	[sflag:s6] =	ssyncset.done $0x0  }
0xd: {  	s9 =	simm.s32 $0x0;
	[sflag:s6] =	ssyncadd.s32 $0xFFFFD8F0  }
.LBB2_2:
0xe: {  	p0 =	sne.s32 s9, $0x9FC0  }
.Ltmp0:
0xf: {  	_ = 	snop;
	(pc) =	sbr.rel @p0 .LBB2_2-.Ltmp0, $3  }
0x10: {  	_ =	sdelay $0x1  }
0x11: {  	s10 =	sshra.s32 s9, $0x2  }
0x12: {  	s9 =	sadd.s32 $0x40, s9;
	[tilespmem:s10+$0x2710] =	vst v0  }
0x13: {  	s10 =	simm.s32 $0x0;
	s9 =	simm.s32 $0x40  }
.LBB2_4:
0x14: {  	p0 =	sne.s32 s9, $0x9C00;
	v2 =	vld [tilespmem:s10+$0x0];
	_ =	sdelay $0x3  }
.Ltmp1:
0x15: {  	(pc) =	sbr.rel @p0 .LBB2_4-.Ltmp1, $2  }
0x16: {  	_ =	sdelay $0x2  }
0x17: {  	s10 =	sshra.s32 s9, $0x2;
	s9 =	sadd.s32 $0x40, s9;
	[tilespmem:v2+s7+$0x0] =	vst.idx.add.f32.msk $0xffff, v1  }
0x18: {  	v2 =	vld [tilespmem:s10+$0x0];
	_ =	sdelay $0x5  }
0x19: {  	s8 =	sadd.s32 $0x1, s8  }
0x1a: {  	p0 =	sne.s32 s8, s5  }
.Ltmp2:
0x1b: {  	[tilespmem:v2+s7+$0x0] =	vst.idx.add.f32.msk $0xffff, v1;
	(pc) =	sbr.rel @p0 .LBB2_1-.Ltmp2, $4  }
0x1c: {  	[hbm4b:s4+s2] =	stream.linear.scatter [tilespmem:s7], [sflag:$0x1], $0x2800, $0x38;
	[tilespmem:$0x4F10] =	vst v63  }
0x1d: {  	_ =	swait.ge [sflag:s6], $0x2800  }
0x1e: {  	[sflag:s6] =	ssyncset.done $0x0  }
0x1f: {  	[sflag:s6] =	ssyncadd.s32 $0xFFFFD800  }
0x20: {  	_ =	sfence.sel $0x180000  }
0x21: {  	[bflag:$0x0] =	sbarrier.arrive $0xFFFF  }
0x22: {  	p0 =	sne.s32 s0, $0x0;
	_ =	strace $0x90000047  }
0x23: {  	s0 =	sadd.s32 @!p0 $0x100000, s1;
	[bflag:$0x2] =	sbarrier.arrive $0xFFFF  }
0x24: {  	[sflag:s0] =	ssyncadd.tile.s32 @!p0 $0x1;
	_ =	shalt  }
.Lfunc_end2:
_tile_overlayer_lowered:
.L_overlay_start_2:
0x25: {  	(tag) =	ssettag $0x2  }
0x26: {  	s0 =	rddreg [dreg:$0x0];
	s2 =	stileid.u32  }
0x27: {  	s1 =	rddreg [dreg:$0x1];
	p0 =	sne.s32 s2, $0x0  }
0x28: {  	s3 =	rddreg [dreg:$0x2];
	[bflag:$0x3] =	sbarrier.arrive $0xFFFF;
	s2 =	simm.s32 @!p0 $0x1C01  }
0x29: {  	[timem:s3], [sflag:s2] =	dma.local @!p0 [hbm:s0], s1  }
0x2a: {  	s0 =	simm.s32 @!p0 $0x1  }
0x2b: {  	_ =	swait.ge @!p0 [sflag:s0], s1  }
0x2c: {  	s1 =	ssub.s32 @!p0 $0x0, s1;
	[sflag:s0] =	ssyncset.done @!p0 $0x0  }
0x2d: {  	[sflag:s0] =	ssyncadd.s32 @!p0 s1  }
0x2e: {  	[bflag:$0x3] =	sbarrier.arrive $0xFFFF  }
0x2f: {  	_ =	shalt  }

</sc_bundles>
